<compile_context>
chip_gen: v7x
topology: tpu7x:2x2x1
jax: 0.10.2.dev20260603
libtpu: 0.0.44.dev20260713+nightly
codegen_flags: <defaults>
</compile_context>

<pallas_src>
import functools

import jax
import jax.numpy as jnp
from jax import lax
from jax.experimental import pallas as pl
from jax.experimental.pallas import tpu as pltpu
from jax.experimental.pallas import tpu_sc as plsc

N = 10000
E = 320000
D_IN = 128
D_EDGE = 4
HID = 32
MSG = 128
OUT = 128
CAT = D_IN + MSG
DIM1 = 214
DIM2 = 172

W = 48
NC = 2
NS = 16
NW = NC * NS
EPW = E // NW
CH = 80
NCH = EPW // CH
NP = 10240
RPT = NP // NS
NB = 5

BE = 2560
BN = 2000

def _leaky(v):
    return jnp.where(v > 0, v, 0.01 * v)


def _edge_body(ea_ref, w1_ref, b1_ref, w2_ref, b2_ref, out_ref):
    a = ea_ref[...]
    h = lax.dot_general(a, w1_ref[...], (((0,), (0,)), ((), ())),
                        preferred_element_type=jnp.float32) + b1_ref[...]
    h = _leaky(h)
    h = jnp.dot(h, w2_ref[...],
                preferred_element_type=jnp.float32) + b2_ref[...]
    h = _leaky(h)
    ones = jnp.ones((BE, 1), jnp.float32)
    pad = jnp.zeros((BE, W - HID - 1), jnp.float32)
    out_ref[...] = jnp.concatenate([h, ones, pad], axis=1)


def _edge_mlp(edge_attr_t, w1t, b1, w2t, b2):
    return pl.pallas_call(
        _edge_body,
        grid=(E // BE,),
        in_specs=[
            pl.BlockSpec((D_EDGE, BE), lambda i: (0, i)),
            pl.BlockSpec((D_EDGE, HID), lambda i: (0, 0)),
            pl.BlockSpec((1, HID), lambda i: (0, 0)),
            pl.BlockSpec((HID, HID), lambda i: (0, 0)),
            pl.BlockSpec((1, HID), lambda i: (0, 0)),
        ],
        out_specs=pl.BlockSpec((BE, W), lambda i: (i, 0)),
        out_shape=jax.ShapeDtypeStruct((E, W), jnp.float32),
    )(edge_attr_t, w1t, b1, w2t, b2)


@functools.cache
def _segment_sum_sc_fn():
    mesh = plsc.VectorSubcoreMesh(core_axis_name="c", subcore_axis_name="s")

    @functools.partial(
        pl.kernel,
        mesh=mesh,
        out_type=jax.ShapeDtypeStruct((NC, NP, W), jnp.float32),
        compiler_params=pltpu.CompilerParams(use_tc_tiling_on_sc=False),
        scratch_types=[
            pltpu.VMEM((NCH, CH), jnp.int32),
            pltpu.VMEM((NB, CH, W), jnp.float32),
            pltpu.VMEM_SHARED((NP, W), jnp.float32),
            pltpu.SemaphoreType.DMA((NB,)),
            pltpu.SemaphoreType.DMA((NB,)),
        ],
    )
    def _segment_sum_sc(h2p_hbm, dst_hbm, zeros_hbm, out_hbm,
                        idx_v, buf_v, acc_sh, gsem, ssem):
        cid = lax.axis_index("c")
        sid = lax.axis_index("s")
        wid = sid * NC + cid
        pltpu.sync_copy(zeros_hbm, buf_v.at[0])

        def zinit(r, carry):
            pltpu.sync_copy(buf_v.at[0],
                            acc_sh.at[pl.ds(sid * RPT + r * CH, CH)])
            return carry

        lax.fori_loop(0, RPT // CH, zinit, 0)
        plsc.subcore_barrier()
        pltpu.sync_copy(dst_hbm.at[wid], idx_v)
        base = wid * EPW

        def gather(c, k):
            pltpu.make_async_copy(
                h2p_hbm.at[pl.ds(base + c * CH, CH)], buf_v.at[k],
                gsem.at[k]).start()

        def gather_wait(k):
            pltpu.make_async_copy(
                h2p_hbm.at[pl.ds(0, CH)], buf_v.at[k], gsem.at[k]).wait()

        def scatter(c, k):
            pltpu.make_async_copy(
                buf_v.at[k], acc_sh.at[idx_v.at[c]], ssem.at[k]
            ).start(add=True)

        def scatter_wait(k):
            pltpu.make_async_copy(
                buf_v.at[k], acc_sh.at[pl.ds(0, CH)], ssem.at[k]).wait()

        for k in range(NB):
            gather(k, k)

        def rounds(i, carry):
            for k in range(NB):
                gather_wait(k)
                scatter(i * NB + k, k)
            for k in range(NB):
                c = i * NB + k

                @pl.when(c + NB < NCH)
                def _():
                    scatter_wait(k)
                    gather(c + NB, k)
            return carry

        lax.fori_loop(0, NCH // NB, rounds, 0)
        for k in range(NB):
            scatter_wait(k)
        plsc.subcore_barrier()

        def publish(r, carry):
            pltpu.sync_copy(acc_sh.at[pl.ds(sid * RPT + r * CH, CH)],
                            buf_v.at[0])
            pltpu.sync_copy(buf_v.at[0],
                            out_hbm.at[cid, pl.ds(sid * RPT + r * CH, CH)])
            return carry

        lax.fori_loop(0, RPT // CH, publish, 0)

    return _segment_sum_sc


def _update_body(x_ref, p_ref, wext_ref, g_ref, bt_ref,
                 w1_ref, b1_ref, w2_ref, b2_ref, w3_ref, b3_ref, out_ref):
    p = p_ref[0] + p_ref[1]
    aggr = jnp.dot(p, wext_ref[...],
                   preferred_element_type=jnp.float32)
    cat = jnp.concatenate([x_ref[...], aggr], axis=1)
    mu = jnp.mean(cat, axis=1, keepdims=True)
    var = jnp.mean((cat - mu) ** 2, axis=1, keepdims=True)
    normed = (cat - mu) * lax.rsqrt(var + 1e-5) * g_ref[...] + bt_ref[...]
    h = jnp.dot(normed, w1_ref[...],
                preferred_element_type=jnp.float32) + b1_ref[...]
    h = _leaky(h)
    h = jnp.dot(h, w2_ref[...],
                preferred_element_type=jnp.float32) + b2_ref[...]
    h = _leaky(h)
    out_ref[...] = jnp.dot(h, w3_ref[...],
                           preferred_element_type=jnp.float32) + b3_ref[...]


def _update(x, partials, wext, gamma, beta, w1t, b1, w2t, b2, w3t, b3):
    full = lambda r, c: pl.BlockSpec((r, c), lambda i: (0, 0))
    return pl.pallas_call(
        _update_body,
        grid=(N // BN,),
        in_specs=[
            pl.BlockSpec((BN, D_IN), lambda i: (i, 0)),
            pl.BlockSpec((NC, BN, W), lambda i: (0, i, 0)),
            full(W, OUT),
            full(1, CAT),
            full(1, CAT),
            full(CAT, DIM1),
            full(1, DIM1),
            full(DIM1, DIM2),
            full(1, DIM2),
            full(DIM2, OUT),
            full(1, OUT),
        ],
        out_specs=pl.BlockSpec((BN, OUT), lambda i: (i, 0)),
        out_shape=jax.ShapeDtypeStruct((N, OUT), jnp.float32),
    )(x, partials, wext, gamma, beta, w1t, b1, w2t, b2, w3t, b3)


def kernel(x, edge_index, edge_attr, mW1, mb1, mW2, mb2, mW3, mb3,
           gamma, beta, uW1, ub1, uW2, ub2, uW3, ub3):
    h2p = _edge_mlp(edge_attr.T, mW1.T, mb1[None, :], mW2.T, mb2[None, :])
    dst3 = edge_index[1].astype(jnp.int32).reshape(NW, NCH, CH)
    zeros = jnp.zeros((CH, W), jnp.float32)
    partials = _segment_sum_sc_fn()(h2p, dst3, zeros)[:, :N]
    wext = jnp.concatenate(
        [mW3.T, mb3[None, :], jnp.zeros((W - HID - 1, MSG), jnp.float32)],
        axis=0)
    return _update(x, partials, wext, gamma[None, :], beta[None, :],
                   uW1.T, ub1[None, :], uW2.T, ub2[None, :],
                   uW3.T, ub3[None, :])

# --- scband reference (transcript-rebuilt; emitter-appended) ---
"""Pipeline reference for scband-simplest-32873679684155 (READ-ONLY COPY).

The authoritative reference and input builder live on the scoring server;
editing this copy changes nothing except your own understanding.
"""

import jax, jax.numpy as jnp
import numpy as np

N = 10000
E = 320000
D_IN = 128
D_EDGE = 4
HID = 32
MSG = 128
OUT = 128
CAT = D_IN + MSG  # 256
DELTA = (CAT - OUT) // 3  # 42
DIM1 = CAT - DELTA  # 214
DIM2 = DIM1 - DELTA  # 172


def _leaky(v):
    return jnp.where(v > 0, v, 0.01 * v)


def _kaiming(key, fan_out, fan_in):
    return jax.random.normal(key, (fan_out, fan_in), dtype=jnp.float32) * np.sqrt(2.0 / fan_in)


def setup_inputs(seed: int = 0) -> dict:
    key = jax.random.key(seed)
    ks = jax.random.split(key, 12)
    x = jax.random.normal(ks[0], (N, D_IN), dtype=jnp.float32)
    edge_index = jax.random.randint(ks[1], (2, E), 0, N)
    edge_attr = jax.random.normal(ks[2], (E, D_EDGE), dtype=jnp.float32)
    # messageMLP (MLP2): D_EDGE -> HID -> HID -> MSG
    mW1 = _kaiming(ks[3], HID, D_EDGE)
    mb1 = jnp.zeros((HID,), dtype=jnp.float32)
    mW2 = _kaiming(ks[4], HID, HID)
    mb2 = jnp.zeros((HID,), dtype=jnp.float32)
    mW3 = _kaiming(ks[5], MSG, HID)
    mb3 = jnp.zeros((MSG,), dtype=jnp.float32)
    # LayerNorm over CAT
    gamma = jnp.ones((CAT,), dtype=jnp.float32)
    beta = jnp.zeros((CAT,), dtype=jnp.float32)
    # updateMLP (MLP): CAT -> DIM1 -> DIM2 -> OUT
    uW1 = _kaiming(ks[6], DIM1, CAT)
    ub1 = jnp.zeros((DIM1,), dtype=jnp.float32)
    uW2 = _kaiming(ks[7], DIM2, DIM1)
    ub2 = jnp.zeros((DIM2,), dtype=jnp.float32)
    uW3 = _kaiming(ks[8], OUT, DIM2)
    ub3 = jnp.zeros((OUT,), dtype=jnp.float32)
    return {"x": x, "edge_index": edge_index, "edge_attr": edge_attr,
            "mW1": mW1, "mb1": mb1, "mW2": mW2, "mb2": mb2, "mW3": mW3, "mb3": mb3,
            "gamma": gamma, "beta": beta,
            "uW1": uW1, "ub1": ub1, "uW2": uW2, "ub2": ub2, "uW3": uW3, "ub3": ub3}


def reference(x, edge_index, edge_attr, mW1, mb1, mW2, mb2, mW3, mb3, gamma, beta, uW1, ub1, uW2, ub2, uW3, ub3):
    # message: MLP2 on edge_attr only
    h = _leaky(edge_attr @ mW1.T + mb1)
    h = _leaky(h @ mW2.T + mb2)
    msg = h @ mW3.T + mb3
    # aggregate (add) at destination nodes edge_index[1]
    aggr = jax.ops.segment_sum(msg, edge_index[1], num_segments=x.shape[0])
    # update: LayerNorm(cat([x, aggr])) -> MLP
    cat = jnp.concatenate([x, aggr], axis=-1)
    mu = jnp.mean(cat, axis=-1, keepdims=True)
    var = jnp.var(cat, axis=-1, keepdims=True)
    normed = (cat - mu) / jnp.sqrt(var + 1e-5) * gamma + beta
    u = _leaky(normed @ uW1.T + ub1)
    u = _leaky(u @ uW2.T + ub2)
    out = u @ uW3.T + ub3
    return out

if __name__ == "__main__":
    import jax
    _d = setup_inputs()
    print(jax.jit(kernel)(*tuple(_d.values())))

</pallas_src>

<mosaic_0001>
#map = affine_map<(d0, d1) -> (0, 0)>
#map1 = affine_map<(d0, d1) -> (0, 0, 0)>
module attributes {stable_mosaic.version = 14 : i64} {
  func.func @_segment_sum_sc(%arg0: i32, %arg1: i32, %arg2: memref<320000x48xf32, #tpu.memory_space<hbm>>, %arg3: memref<32x125x80xi32, #tpu.memory_space<hbm>>, %arg4: memref<80x48xf32, #tpu.memory_space<hbm>>, %arg5: memref<2x10240x48xf32, #tpu.memory_space<hbm>>, %arg6: memref<125x80xi32, #tpu.memory_space<vmem>>, %arg7: memref<5x80x48xf32, #tpu.memory_space<vmem>>, %arg8: memref<10240x48xf32, #tpu.memory_space<vmem_shared>>, %arg9: memref<5x!tpu.dma_semaphore, #tpu.memory_space<semaphore_mem>>, %arg10: memref<5x!tpu.dma_semaphore, #tpu.memory_space<semaphore_mem>>) attributes {dimension_semantics = [#tpu.dimension_semantics<core_parallel>, #tpu.dimension_semantics<subcore_parallel>], iteration_bounds = array<i64: 2, 16>, scalar_prefetch = 0 : i64, scratch_operands = 5 : i64, tpu.core_type = #tpu.core_type<sc_vector_subcore>, window_params = [{transform_indices = #map}, {transform_indices = #map1}, {transform_indices = #map}, {transform_indices = #map1}]} {
    %mul3A = arith.constant 2 : i32
    %mul3A_0 = arith.muli %arg1, %mul3A : i32
    %add3A = arith.addi %mul3A_0, %arg0 : i32
    %run_scoped3A = arith.constant 0 : i32
    "tpu.region"() ({
      %run_scoped3A_199 = tpu.sem_alloc : memref<!tpu.dma_semaphore, #tpu.memory_space<semaphore_mem>>
      %dma_start3A_200 = arith.constant 0 : i32
      %dma_start3A_201 = arith.constant 0 : i32
      %dma_start3A_202 = tpu.memref_slice %arg7[%run_scoped3A, %dma_start3A_200, %dma_start3A_201] : memref<5x80x48xf32, #tpu.memory_space<vmem>> -> memref<1x80x48xf32, #tpu.memory_space<vmem>>
      %dma_start3A_203 = tpu.memref_squeeze %dma_start3A_202 : memref<1x80x48xf32, #tpu.memory_space<vmem>> -> memref<80x48xf32, #tpu.memory_space<vmem>>
      %dma_start3A_204 = arith.constant 0 : i32
      %dma_start3A_205 = arith.constant 0 : i32
      %dma_start3A_206 = tpu.memref_slice %arg7[%run_scoped3A, %dma_start3A_204, %dma_start3A_205] : memref<5x80x48xf32, #tpu.memory_space<vmem>> -> memref<1x80x48xf32, #tpu.memory_space<vmem>>
      %dma_start3A_207 = tpu.memref_squeeze %dma_start3A_206 : memref<1x80x48xf32, #tpu.memory_space<vmem>> -> memref<80x48xf32, #tpu.memory_space<vmem>>
      tpu.enqueue_dma source(%arg4 : memref<80x48xf32, #tpu.memory_space<hbm>>) target(%dma_start3A_207 : memref<80x48xf32, #tpu.memory_space<vmem>>) target_semaphore(%run_scoped3A_199 : memref<!tpu.dma_semaphore, #tpu.memory_space<semaphore_mem>>)
      %dma_wait3A_208 = arith.constant 0 : i32
      %dma_wait3A_209 = arith.constant 0 : i32
      %dma_wait3A_210 = tpu.memref_slice %arg7[%run_scoped3A, %dma_wait3A_208, %dma_wait3A_209] : memref<5x80x48xf32, #tpu.memory_space<vmem>> -> memref<1x80x48xf32, #tpu.memory_space<vmem>>
      %dma_wait3A_211 = tpu.memref_squeeze %dma_wait3A_210 : memref<1x80x48xf32, #tpu.memory_space<vmem>> -> memref<80x48xf32, #tpu.memory_space<vmem>>
      %dma_wait3A_212 = arith.constant 0 : i32
      %dma_wait3A_213 = arith.constant 0 : i32
      %dma_wait3A_214 = tpu.memref_slice %arg7[%run_scoped3A, %dma_wait3A_212, %dma_wait3A_213] : memref<5x80x48xf32, #tpu.memory_space<vmem>> -> memref<1x80x48xf32, #tpu.memory_space<vmem>>
      %dma_wait3A_215 = tpu.memref_squeeze %dma_wait3A_214 : memref<1x80x48xf32, #tpu.memory_space<vmem>> -> memref<80x48xf32, #tpu.memory_space<vmem>>
      tpu.wait_dma2 semaphore(%run_scoped3A_199 : memref<!tpu.dma_semaphore, #tpu.memory_space<semaphore_mem>>) src(%arg4 : memref<80x48xf32, #tpu.memory_space<hbm>>) dst(%dma_wait3A_215 : memref<80x48xf32, #tpu.memory_space<vmem>>)
      tpu.yield
    }) : () -> ()
    %scan3A = arith.constant 0 : i32
    %scan3A_1 = arith.constant 0 : i32
    %scan3A_2 = arith.constant 8 : i32
    %scan3A_3 = arith.addi %scan3A_1, %scan3A_2 : i32
    %scan3A_4 = arith.constant 1 : i32
    scf.for %scan3A_199 = %scan3A_1 to %scan3A_3 step %scan3A_4  : i32 {
      %mul3A_200 = arith.constant 640 : i32
      %mul3A_201 = arith.muli %arg1, %mul3A_200 : i32
      %mul3A_202 = arith.constant 80 : i32
      %mul3A_203 = arith.muli %scan3A_199, %mul3A_202 : i32
      %add3A_204 = arith.addi %mul3A_201, %mul3A_203 : i32
      %run_scoped3A_205 = arith.constant 0 : i32
      "tpu.region"() ({
        %run_scoped3A_206 = tpu.sem_alloc : memref<!tpu.dma_semaphore, #tpu.memory_space<semaphore_mem>>
        %dma_start3A_207 = arith.constant 0 : i32
        %dma_start3A_208 = arith.constant 0 : i32
        %dma_start3A_209 = tpu.memref_slice %arg7[%run_scoped3A_205, %dma_start3A_207, %dma_start3A_208] : memref<5x80x48xf32, #tpu.memory_space<vmem>> -> memref<1x80x48xf32, #tpu.memory_space<vmem>>
        %dma_start3A_210 = tpu.memref_squeeze %dma_start3A_209 : memref<1x80x48xf32, #tpu.memory_space<vmem>> -> memref<80x48xf32, #tpu.memory_space<vmem>>
        %dma_start3A_211 = arith.constant 0 : i32
        %dma_start3A_212 = tpu.memref_slice %arg8[%add3A_204, %dma_start3A_211] : memref<10240x48xf32, #tpu.memory_space<vmem_shared>> -> memref<80x48xf32, #tpu.memory_space<vmem_shared>>
        %dma_start3A_213 = arith.constant 0 : i32
        %dma_start3A_214 = tpu.memref_slice %arg8[%add3A_204, %dma_start3A_213] : memref<10240x48xf32, #tpu.memory_space<vmem_shared>> -> memref<80x48xf32, #tpu.memory_space<vmem_shared>>
        %dma_start3A_215 = arith.constant 0 : i32
        %dma_start3A_216 = arith.constant 0 : i32
        %dma_start3A_217 = tpu.memref_slice %arg7[%run_scoped3A_205, %dma_start3A_215, %dma_start3A_216] : memref<5x80x48xf32, #tpu.memory_space<vmem>> -> memref<1x80x48xf32, #tpu.memory_space<vmem>>
        %dma_start3A_218 = tpu.memref_squeeze %dma_start3A_217 : memref<1x80x48xf32, #tpu.memory_space<vmem>> -> memref<80x48xf32, #tpu.memory_space<vmem>>
        tpu.enqueue_dma source(%dma_start3A_218 : memref<80x48xf32, #tpu.memory_space<vmem>>) target(%dma_start3A_214 : memref<80x48xf32, #tpu.memory_space<vmem_shared>>) target_semaphore(%run_scoped3A_206 : memref<!tpu.dma_semaphore, #tpu.memory_space<semaphore_mem>>)
        %dma_wait3A_219 = arith.constant 0 : i32
        %dma_wait3A_220 = arith.constant 0 : i32
        %dma_wait3A_221 = tpu.memref_slice %arg7[%run_scoped3A_205, %dma_wait3A_219, %dma_wait3A_220] : memref<5x80x48xf32, #tpu.memory_space<vmem>> -> memref<1x80x48xf32, #tpu.memory_space<vmem>>
        %dma_wait3A_222 = tpu.memref_squeeze %dma_wait3A_221 : memref<1x80x48xf32, #tpu.memory_space<vmem>> -> memref<80x48xf32, #tpu.memory_space<vmem>>
        %dma_wait3A_223 = arith.constant 0 : i32
        %dma_wait3A_224 = tpu.memref_slice %arg8[%add3A_204, %dma_wait3A_223] : memref<10240x48xf32, #tpu.memory_space<vmem_shared>> -> memref<80x48xf32, #tpu.memory_space<vmem_shared>>
        %dma_wait3A_225 = arith.constant 0 : i32
        %dma_wait3A_226 = tpu.memref_slice %arg8[%add3A_204, %dma_wait3A_225] : memref<10240x48xf32, #tpu.memory_space<vmem_shared>> -> memref<80x48xf32, #tpu.memory_space<vmem_shared>>
        %dma_wait3A_227 = arith.constant 0 : i32
        %dma_wait3A_228 = arith.constant 0 : i32
        %dma_wait3A_229 = tpu.memref_slice %arg7[%run_scoped3A_205, %dma_wait3A_227, %dma_wait3A_228] : memref<5x80x48xf32, #tpu.memory_space<vmem>> -> memref<1x80x48xf32, #tpu.memory_space<vmem>>
        %dma_wait3A_230 = tpu.memref_squeeze %dma_wait3A_229 : memref<1x80x48xf32, #tpu.memory_space<vmem>> -> memref<80x48xf32, #tpu.memory_space<vmem>>
        tpu.wait_dma2 semaphore(%run_scoped3A_206 : memref<!tpu.dma_semaphore, #tpu.memory_space<semaphore_mem>>) src(%dma_wait3A_230 : memref<80x48xf32, #tpu.memory_space<vmem>>) dst(%dma_wait3A_226 : memref<80x48xf32, #tpu.memory_space<vmem_shared>>)
        tpu.yield
      }) : () -> ()
    }
    %scan3A_5 = arith.constant 8 : i32
    %barrier3A = arith.constant 0 : index
    tpu.barrier barrier_id(%barrier3A)
    "tpu.region"() ({
      %run_scoped3A_199 = tpu.sem_alloc : memref<!tpu.dma_semaphore, #tpu.memory_space<semaphore_mem>>
      %dma_start3A_200 = arith.constant 0 : i32
      %dma_start3A_201 = arith.constant 0 : i32
      %dma_start3A_202 = tpu.memref_slice %arg3[%add3A, %dma_start3A_200, %dma_start3A_201] : memref<32x125x80xi32, #tpu.memory_space<hbm>> -> memref<1x125x80xi32, #tpu.memory_space<hbm>>
      %dma_start3A_203 = tpu.memref_squeeze %dma_start3A_202 : memref<1x125x80xi32, #tpu.memory_space<hbm>> -> memref<125x80xi32, #tpu.memory_space<hbm>>
      %dma_start3A_204 = arith.constant 0 : i32
      %dma_start3A_205 = arith.constant 0 : i32
      %dma_start3A_206 = tpu.memref_slice %arg3[%add3A, %dma_start3A_204, %dma_start3A_205] : memref<32x125x80xi32, #tpu.memory_space<hbm>> -> memref<1x125x80xi32, #tpu.memory_space<hbm>>
      %dma_start3A_207 = tpu.memref_squeeze %dma_start3A_206 : memref<1x125x80xi32, #tpu.memory_space<hbm>> -> memref<125x80xi32, #tpu.memory_space<hbm>>
      tpu.enqueue_dma source(%dma_start3A_207 : memref<125x80xi32, #tpu.memory_space<hbm>>) target(%arg6 : memref<125x80xi32, #tpu.memory_space<vmem>>) target_semaphore(%run_scoped3A_199 : memref<!tpu.dma_semaphore, #tpu.memory_space<semaphore_mem>>)
      %dma_wait3A_208 = arith.constant 0 : i32
      %dma_wait3A_209 = arith.constant 0 : i32
      %dma_wait3A_210 = tpu.memref_slice %arg3[%add3A, %dma_wait3A_208, %dma_wait3A_209] : memref<32x125x80xi32, #tpu.memory_space<hbm>> -> memref<1x125x80xi32, #tpu.memory_space<hbm>>
      %dma_wait3A_211 = tpu.memref_squeeze %dma_wait3A_210 : memref<1x125x80xi32, #tpu.memory_space<hbm>> -> memref<125x80xi32, #tpu.memory_space<hbm>>
      %dma_wait3A_212 = arith.constant 0 : i32
      %dma_wait3A_213 = arith.constant 0 : i32
      %dma_wait3A_214 = tpu.memref_slice %arg3[%add3A, %dma_wait3A_212, %dma_wait3A_213] : memref<32x125x80xi32, #tpu.memory_space<hbm>> -> memref<1x125x80xi32, #tpu.memory_space<hbm>>
      %dma_wait3A_215 = tpu.memref_squeeze %dma_wait3A_214 : memref<1x125x80xi32, #tpu.memory_space<hbm>> -> memref<125x80xi32, #tpu.memory_space<hbm>>
      tpu.wait_dma2 semaphore(%run_scoped3A_199 : memref<!tpu.dma_semaphore, #tpu.memory_space<semaphore_mem>>) src(%dma_wait3A_215 : memref<125x80xi32, #tpu.memory_space<hbm>>) dst(%arg6 : memref<125x80xi32, #tpu.memory_space<vmem>>)
      tpu.yield
    }) : () -> ()
    %mul3A_6 = arith.constant 10000 : i32
    %mul3A_7 = arith.muli %add3A, %mul3A_6 : i32
    %add3A_8 = arith.constant 0 : i32
    %add3A_9 = arith.addi %mul3A_7, %add3A_8 : i32
    %dma_start3A = arith.constant 0 : i32
    %dma_start3A_10 = arith.constant 0 : i32
    %dma_start3A_11 = arith.constant 0 : i32
    %dma_start3A_12 = arith.constant 0 : i32
    %dma_start3A_13 = tpu.memref_slice %arg7[%dma_start3A, %dma_start3A_11, %dma_start3A_12] : memref<5x80x48xf32, #tpu.memory_space<vmem>> -> memref<1x80x48xf32, #tpu.memory_space<vmem>>
    %dma_start3A_14 = tpu.memref_squeeze %dma_start3A_13 : memref<1x80x48xf32, #tpu.memory_space<vmem>> -> memref<80x48xf32, #tpu.memory_space<vmem>>
    %dma_start3A_15 = arith.constant 0 : i32
    %dma_start3A_16 = tpu.memref_slice %arg2[%add3A_9, %dma_start3A_15] : memref<320000x48xf32, #tpu.memory_space<hbm>> -> memref<80x48xf32, #tpu.memory_space<hbm>>
    %dma_start3A_17 = tpu.memref_slice %arg9[%dma_start3A_10] : memref<5x!tpu.dma_semaphore, #tpu.memory_space<semaphore_mem>> -> memref<1x!tpu.dma_semaphore, #tpu.memory_space<semaphore_mem>>
    %dma_start3A_18 = tpu.memref_squeeze %dma_start3A_17 : memref<1x!tpu.dma_semaphore, #tpu.memory_space<semaphore_mem>> -> memref<!tpu.dma_semaphore, #tpu.memory_space<semaphore_mem>>
    %dma_start3A_19 = arith.constant 0 : i32
    %dma_start3A_20 = arith.constant 0 : i32
    %dma_start3A_21 = tpu.memref_slice %arg7[%dma_start3A, %dma_start3A_19, %dma_start3A_20] : memref<5x80x48xf32, #tpu.memory_space<vmem>> -> memref<1x80x48xf32, #tpu.memory_space<vmem>>
    %dma_start3A_22 = tpu.memref_squeeze %dma_start3A_21 : memref<1x80x48xf32, #tpu.memory_space<vmem>> -> memref<80x48xf32, #tpu.memory_space<vmem>>
    %dma_start3A_23 = arith.constant 0 : i32
    %dma_start3A_24 = tpu.memref_slice %arg2[%add3A_9, %dma_start3A_23] : memref<320000x48xf32, #tpu.memory_space<hbm>> -> memref<80x48xf32, #tpu.memory_space<hbm>>
    tpu.enqueue_dma source(%dma_start3A_24 : memref<80x48xf32, #tpu.memory_space<hbm>>) target(%dma_start3A_22 : memref<80x48xf32, #tpu.memory_space<vmem>>) target_semaphore(%dma_start3A_18 : memref<!tpu.dma_semaphore, #tpu.memory_space<semaphore_mem>>)
    %add3A_25 = arith.constant 80 : i32
    %add3A_26 = arith.addi %mul3A_7, %add3A_25 : i32
    %dma_start3A_27 = arith.constant 1 : i32
    %dma_start3A_28 = arith.constant 1 : i32
    %dma_start3A_29 = arith.constant 0 : i32
    %dma_start3A_30 = arith.constant 0 : i32
    %dma_start3A_31 = tpu.memref_slice %arg7[%dma_start3A_27, %dma_start3A_29, %dma_start3A_30] : memref<5x80x48xf32, #tpu.memory_space<vmem>> -> memref<1x80x48xf32, #tpu.memory_space<vmem>>
    %dma_start3A_32 = tpu.memref_squeeze %dma_start3A_31 : memref<1x80x48xf32, #tpu.memory_space<vmem>> -> memref<80x48xf32, #tpu.memory_space<vmem>>
    %dma_start3A_33 = arith.constant 0 : i32
    %dma_start3A_34 = tpu.memref_slice %arg2[%add3A_26, %dma_start3A_33] : memref<320000x48xf32, #tpu.memory_space<hbm>> -> memref<80x48xf32, #tpu.memory_space<hbm>>
    %dma_start3A_35 = tpu.memref_slice %arg9[%dma_start3A_28] : memref<5x!tpu.dma_semaphore, #tpu.memory_space<semaphore_mem>> -> memref<1x!tpu.dma_semaphore, #tpu.memory_space<semaphore_mem>>
    %dma_start3A_36 = tpu.memref_squeeze %dma_start3A_35 : memref<1x!tpu.dma_semaphore, #tpu.memory_space<semaphore_mem>> -> memref<!tpu.dma_semaphore, #tpu.memory_space<semaphore_mem>>
    %dma_start3A_37 = arith.constant 0 : i32
    %dma_start3A_38 = arith.constant 0 : i32
    %dma_start3A_39 = tpu.memref_slice %arg7[%dma_start3A_27, %dma_start3A_37, %dma_start3A_38] : memref<5x80x48xf32, #tpu.memory_space<vmem>> -> memref<1x80x48xf32, #tpu.memory_space<vmem>>
    %dma_start3A_40 = tpu.memref_squeeze %dma_start3A_39 : memref<1x80x48xf32, #tpu.memory_space<vmem>> -> memref<80x48xf32, #tpu.memory_space<vmem>>
    %dma_start3A_41 = arith.constant 0 : i32
    %dma_start3A_42 = tpu.memref_slice %arg2[%add3A_26, %dma_start3A_41] : memref<320000x48xf32, #tpu.memory_space<hbm>> -> memref<80x48xf32, #tpu.memory_space<hbm>>
    tpu.enqueue_dma source(%dma_start3A_42 : memref<80x48xf32, #tpu.memory_space<hbm>>) target(%dma_start3A_40 : memref<80x48xf32, #tpu.memory_space<vmem>>) target_semaphore(%dma_start3A_36 : memref<!tpu.dma_semaphore, #tpu.memory_space<semaphore_mem>>)
    %add3A_43 = arith.constant 160 : i32
    %add3A_44 = arith.addi %mul3A_7, %add3A_43 : i32
    %dma_start3A_45 = arith.constant 2 : i32
    %dma_start3A_46 = arith.constant 2 : i32
    %dma_start3A_47 = arith.constant 0 : i32
    %dma_start3A_48 = arith.constant 0 : i32
    %dma_start3A_49 = tpu.memref_slice %arg7[%dma_start3A_45, %dma_start3A_47, %dma_start3A_48] : memref<5x80x48xf32, #tpu.memory_space<vmem>> -> memref<1x80x48xf32, #tpu.memory_space<vmem>>
    %dma_start3A_50 = tpu.memref_squeeze %dma_start3A_49 : memref<1x80x48xf32, #tpu.memory_space<vmem>> -> memref<80x48xf32, #tpu.memory_space<vmem>>
    %dma_start3A_51 = arith.constant 0 : i32
    %dma_start3A_52 = tpu.memref_slice %arg2[%add3A_44, %dma_start3A_51] : memref<320000x48xf32, #tpu.memory_space<hbm>> -> memref<80x48xf32, #tpu.memory_space<hbm>>
    %dma_start3A_53 = tpu.memref_slice %arg9[%dma_start3A_46] : memref<5x!tpu.dma_semaphore, #tpu.memory_space<semaphore_mem>> -> memref<1x!tpu.dma_semaphore, #tpu.memory_space<semaphore_mem>>
    %dma_start3A_54 = tpu.memref_squeeze %dma_start3A_53 : memref<1x!tpu.dma_semaphore, #tpu.memory_space<semaphore_mem>> -> memref<!tpu.dma_semaphore, #tpu.memory_space<semaphore_mem>>
    %dma_start3A_55 = arith.constant 0 : i32
    %dma_start3A_56 = arith.constant 0 : i32
    %dma_start3A_57 = tpu.memref_slice %arg7[%dma_start3A_45, %dma_start3A_55, %dma_start3A_56] : memref<5x80x48xf32, #tpu.memory_space<vmem>> -> memref<1x80x48xf32, #tpu.memory_space<vmem>>
    %dma_start3A_58 = tpu.memref_squeeze %dma_start3A_57 : memref<1x80x48xf32, #tpu.memory_space<vmem>> -> memref<80x48xf32, #tpu.memory_space<vmem>>
    %dma_start3A_59 = arith.constant 0 : i32
    %dma_start3A_60 = tpu.memref_slice %arg2[%add3A_44, %dma_start3A_59] : memref<320000x48xf32, #tpu.memory_space<hbm>> -> memref<80x48xf32, #tpu.memory_space<hbm>>
    tpu.enqueue_dma source(%dma_start3A_60 : memref<80x48xf32, #tpu.memory_space<hbm>>) target(%dma_start3A_58 : memref<80x48xf32, #tpu.memory_space<vmem>>) target_semaphore(%dma_start3A_54 : memref<!tpu.dma_semaphore, #tpu.memory_space<semaphore_mem>>)
    %add3A_61 = arith.constant 240 : i32
    %add3A_62 = arith.addi %mul3A_7, %add3A_61 : i32
    %dma_start3A_63 = arith.constant 3 : i32
    %dma_start3A_64 = arith.constant 3 : i32
    %dma_start3A_65 = arith.constant 0 : i32
    %dma_start3A_66 = arith.constant 0 : i32
    %dma_start3A_67 = tpu.memref_slice %arg7[%dma_start3A_63, %dma_start3A_65, %dma_start3A_66] : memref<5x80x48xf32, #tpu.memory_space<vmem>> -> memref<1x80x48xf32, #tpu.memory_space<vmem>>
    %dma_start3A_68 = tpu.memref_squeeze %dma_start3A_67 : memref<1x80x48xf32, #tpu.memory_space<vmem>> -> memref<80x48xf32, #tpu.memory_space<vmem>>
    %dma_start3A_69 = arith.constant 0 : i32
    %dma_start3A_70 = tpu.memref_slice %arg2[%add3A_62, %dma_start3A_69] : memref<320000x48xf32, #tpu.memory_space<hbm>> -> memref<80x48xf32, #tpu.memory_space<hbm>>
    %dma_start3A_71 = tpu.memref_slice %arg9[%dma_start3A_64] : memref<5x!tpu.dma_semaphore, #tpu.memory_space<semaphore_mem>> -> memref<1x!tpu.dma_semaphore, #tpu.memory_space<semaphore_mem>>
    %dma_start3A_72 = tpu.memref_squeeze %dma_start3A_71 : memref<1x!tpu.dma_semaphore, #tpu.memory_space<semaphore_mem>> -> memref<!tpu.dma_semaphore, #tpu.memory_space<semaphore_mem>>
    %dma_start3A_73 = arith.constant 0 : i32
    %dma_start3A_74 = arith.constant 0 : i32
    %dma_start3A_75 = tpu.memref_slice %arg7[%dma_start3A_63, %dma_start3A_73, %dma_start3A_74] : memref<5x80x48xf32, #tpu.memory_space<vmem>> -> memref<1x80x48xf32, #tpu.memory_space<vmem>>
    %dma_start3A_76 = tpu.memref_squeeze %dma_start3A_75 : memref<1x80x48xf32, #tpu.memory_space<vmem>> -> memref<80x48xf32, #tpu.memory_space<vmem>>
    %dma_start3A_77 = arith.constant 0 : i32
    %dma_start3A_78 = tpu.memref_slice %arg2[%add3A_62, %dma_start3A_77] : memref<320000x48xf32, #tpu.memory_space<hbm>> -> memref<80x48xf32, #tpu.memory_space<hbm>>
    tpu.enqueue_dma source(%dma_start3A_78 : memref<80x48xf32, #tpu.memory_space<hbm>>) target(%dma_start3A_76 : memref<80x48xf32, #tpu.memory_space<vmem>>) target_semaphore(%dma_start3A_72 : memref<!tpu.dma_semaphore, #tpu.memory_space<semaphore_mem>>)
    %add3A_79 = arith.constant 320 : i32
    %add3A_80 = arith.addi %mul3A_7, %add3A_79 : i32
    %dma_start3A_81 = arith.constant 4 : i32
    %dma_start3A_82 = arith.constant 4 : i32
    %dma_start3A_83 = arith.constant 0 : i32
    %dma_start3A_84 = arith.constant 0 : i32
    %dma_start3A_85 = tpu.memref_slice %arg7[%dma_start3A_81, %dma_start3A_83, %dma_start3A_84] : memref<5x80x48xf32, #tpu.memory_space<vmem>> -> memref<1x80x48xf32, #tpu.memory_space<vmem>>
    %dma_start3A_86 = tpu.memref_squeeze %dma_start3A_85 : memref<1x80x48xf32, #tpu.memory_space<vmem>> -> memref<80x48xf32, #tpu.memory_space<vmem>>
    %dma_start3A_87 = arith.constant 0 : i32
    %dma_start3A_88 = tpu.memref_slice %arg2[%add3A_80, %dma_start3A_87] : memref<320000x48xf32, #tpu.memory_space<hbm>> -> memref<80x48xf32, #tpu.memory_space<hbm>>
    %dma_start3A_89 = tpu.memref_slice %arg9[%dma_start3A_82] : memref<5x!tpu.dma_semaphore, #tpu.memory_space<semaphore_mem>> -> memref<1x!tpu.dma_semaphore, #tpu.memory_space<semaphore_mem>>
    %dma_start3A_90 = tpu.memref_squeeze %dma_start3A_89 : memref<1x!tpu.dma_semaphore, #tpu.memory_space<semaphore_mem>> -> memref<!tpu.dma_semaphore, #tpu.memory_space<semaphore_mem>>
    %dma_start3A_91 = arith.constant 0 : i32
    %dma_start3A_92 = arith.constant 0 : i32
    %dma_start3A_93 = tpu.memref_slice %arg7[%dma_start3A_81, %dma_start3A_91, %dma_start3A_92] : memref<5x80x48xf32, #tpu.memory_space<vmem>> -> memref<1x80x48xf32, #tpu.memory_space<vmem>>
    %dma_start3A_94 = tpu.memref_squeeze %dma_start3A_93 : memref<1x80x48xf32, #tpu.memory_space<vmem>> -> memref<80x48xf32, #tpu.memory_space<vmem>>
    %dma_start3A_95 = arith.constant 0 : i32
    %dma_start3A_96 = tpu.memref_slice %arg2[%add3A_80, %dma_start3A_95] : memref<320000x48xf32, #tpu.memory_space<hbm>> -> memref<80x48xf32, #tpu.memory_space<hbm>>
    tpu.enqueue_dma source(%dma_start3A_96 : memref<80x48xf32, #tpu.memory_space<hbm>>) target(%dma_start3A_94 : memref<80x48xf32, #tpu.memory_space<vmem>>) target_semaphore(%dma_start3A_90 : memref<!tpu.dma_semaphore, #tpu.memory_space<semaphore_mem>>)
    %scan3A_97 = arith.constant 0 : i32
    %scan3A_98 = arith.constant 0 : i32
    %scan3A_99 = arith.constant 25 : i32
    %scan3A_100 = arith.addi %scan3A_98, %scan3A_99 : i32
    %scan3A_101 = arith.constant 1 : i32
    scf.for %scan3A_199 = %scan3A_98 to %scan3A_100 step %scan3A_101  : i32 {
      %dma_wait3A_200 = arith.constant 0 : i32
      %dma_wait3A_201 = arith.constant 0 : i32
      %dma_wait3A_202 = arith.constant 0 : i32
      %dma_wait3A_203 = arith.constant 0 : i32
      %dma_wait3A_204 = tpu.memref_slice %arg7[%dma_wait3A_200, %dma_wait3A_202, %dma_wait3A_203] : memref<5x80x48xf32, #tpu.memory_space<vmem>> -> memref<1x80x48xf32, #tpu.memory_space<vmem>>
      %dma_wait3A_205 = tpu.memref_squeeze %dma_wait3A_204 : memref<1x80x48xf32, #tpu.memory_space<vmem>> -> memref<80x48xf32, #tpu.memory_space<vmem>>
      %dma_wait3A_206 = arith.constant 0 : i32
      %dma_wait3A_207 = arith.constant 0 : i32
      %dma_wait3A_208 = tpu.memref_slice %arg2[%dma_wait3A_206, %dma_wait3A_207] : memref<320000x48xf32, #tpu.memory_space<hbm>> -> memref<80x48xf32, #tpu.memory_space<hbm>>
      %dma_wait3A_209 = tpu.memref_slice %arg9[%dma_wait3A_201] : memref<5x!tpu.dma_semaphore, #tpu.memory_space<semaphore_mem>> -> memref<1x!tpu.dma_semaphore, #tpu.memory_space<semaphore_mem>>
      %dma_wait3A_210 = tpu.memref_squeeze %dma_wait3A_209 : memref<1x!tpu.dma_semaphore, #tpu.memory_space<semaphore_mem>> -> memref<!tpu.dma_semaphore, #tpu.memory_space<semaphore_mem>>
      %dma_wait3A_211 = arith.constant 0 : i32
      %dma_wait3A_212 = arith.constant 0 : i32
      %dma_wait3A_213 = tpu.memref_slice %arg7[%dma_wait3A_200, %dma_wait3A_211, %dma_wait3A_212] : memref<5x80x48xf32, #tpu.memory_space<vmem>> -> memref<1x80x48xf32, #tpu.memory_space<vmem>>
      %dma_wait3A_214 = tpu.memref_squeeze %dma_wait3A_213 : memref<1x80x48xf32, #tpu.memory_space<vmem>> -> memref<80x48xf32, #tpu.memory_space<vmem>>
      %dma_wait3A_215 = arith.constant 0 : i32
      %dma_wait3A_216 = arith.constant 0 : i32
      %dma_wait3A_217 = tpu.memref_slice %arg2[%dma_wait3A_215, %dma_wait3A_216] : memref<320000x48xf32, #tpu.memory_space<hbm>> -> memref<80x48xf32, #tpu.memory_space<hbm>>
      tpu.wait_dma2 semaphore(%dma_wait3A_210 : memref<!tpu.dma_semaphore, #tpu.memory_space<semaphore_mem>>) src(%dma_wait3A_217 : memref<80x48xf32, #tpu.memory_space<hbm>>) dst(%dma_wait3A_214 : memref<80x48xf32, #tpu.memory_space<vmem>>)
      %mul3A_218 = arith.constant 5 : i32
      %mul3A_219 = arith.muli %scan3A_199, %mul3A_218 : i32
      %add3A_220 = arith.constant 0 : i32
      %add3A_221 = arith.addi %mul3A_219, %add3A_220 : i32
      %dma_start3A_222 = arith.constant 0 : i32
      %dma_start3A_223 = arith.constant 0 : i32
      %dma_start3A_224 = arith.constant 0 : i32
      %dma_start3A_225 = arith.constant 0 : i32
      %dma_start3A_226 = tpu.memref_slice %arg7[%dma_start3A_222, %dma_start3A_224, %dma_start3A_225] : memref<5x80x48xf32, #tpu.memory_space<vmem>> -> memref<1x80x48xf32, #tpu.memory_space<vmem>>
      %dma_start3A_227 = tpu.memref_squeeze %dma_start3A_226 : memref<1x80x48xf32, #tpu.memory_space<vmem>> -> memref<80x48xf32, #tpu.memory_space<vmem>>
      %dma_start3A_228 = arith.constant 0 : i32
      %dma_start3A_229 = tpu.memref_slice %arg6[%add3A_221, %dma_start3A_228] : memref<125x80xi32, #tpu.memory_space<vmem>> -> memref<1x80xi32, #tpu.memory_space<vmem>>
      %dma_start3A_230 = tpu.memref_squeeze %dma_start3A_229 : memref<1x80xi32, #tpu.memory_space<vmem>> -> memref<80xi32, #tpu.memory_space<vmem>>
      %dma_start3A_231 = arith.constant 0 : i32
      %dma_start3A_232 = arith.constant 0 : i32
      %dma_start3A_233 = tpu.memref_slice %arg8[%dma_start3A_231, %dma_start3A_232] : memref<10240x48xf32, #tpu.memory_space<vmem_shared>> -> memref<10240x48xf32, #tpu.memory_space<vmem_shared>>
      %dma_start3A_234 = tpu.memref_slice %arg10[%dma_start3A_223] : memref<5x!tpu.dma_semaphore, #tpu.memory_space<semaphore_mem>> -> memref<1x!tpu.dma_semaphore, #tpu.memory_space<semaphore_mem>>
      %dma_start3A_235 = tpu.memref_squeeze %dma_start3A_234 : memref<1x!tpu.dma_semaphore, #tpu.memory_space<semaphore_mem>> -> memref<!tpu.dma_semaphore, #tpu.memory_space<semaphore_mem>>
      tpu.enqueue_indirect_dma source(%dma_start3A_227 : memref<80x48xf32, #tpu.memory_space<vmem>>) target(%dma_start3A_233 : memref<10240x48xf32, #tpu.memory_space<vmem_shared>>) offsets(%dma_start3A_230 : memref<80xi32, #tpu.memory_space<vmem>>) semaphore(%dma_start3A_235 : memref<!tpu.dma_semaphore, #tpu.memory_space<semaphore_mem>>) {add = true}
      %dma_wait3A_236 = arith.constant 1 : i32
      %dma_wait3A_237 = arith.constant 1 : i32
      %dma_wait3A_238 = arith.constant 0 : i32
      %dma_wait3A_239 = arith.constant 0 : i32
      %dma_wait3A_240 = tpu.memref_slice %arg7[%dma_wait3A_236, %dma_wait3A_238, %dma_wait3A_239] : memref<5x80x48xf32, #tpu.memory_space<vmem>> -> memref<1x80x48xf32, #tpu.memory_space<vmem>>
      %dma_wait3A_241 = tpu.memref_squeeze %dma_wait3A_240 : memref<1x80x48xf32, #tpu.memory_space<vmem>> -> memref<80x48xf32, #tpu.memory_space<vmem>>
      %dma_wait3A_242 = arith.constant 0 : i32
      %dma_wait3A_243 = arith.constant 0 : i32
      %dma_wait3A_244 = tpu.memref_slice %arg2[%dma_wait3A_242, %dma_wait3A_243] : memref<320000x48xf32, #tpu.memory_space<hbm>> -> memref<80x48xf32, #tpu.memory_space<hbm>>
      %dma_wait3A_245 = tpu.memref_slice %arg9[%dma_wait3A_237] : memref<5x!tpu.dma_semaphore, #tpu.memory_space<semaphore_mem>> -> memref<1x!tpu.dma_semaphore, #tpu.memory_space<semaphore_mem>>
      %dma_wait3A_246 = tpu.memref_squeeze %dma_wait3A_245 : memref<1x!tpu.dma_semaphore, #tpu.memory_space<semaphore_mem>> -> memref<!tpu.dma_semaphore, #tpu.memory_space<semaphore_mem>>
      %dma_wait3A_247 = arith.constant 0 : i32
      %dma_wait3A_248 = arith.constant 0 : i32
      %dma_wait3A_249 = tpu.memref_slice %arg7[%dma_wait3A_236, %dma_wait3A_247, %dma_wait3A_248] : memref<5x80x48xf32, #tpu.memory_space<vmem>> -> memref<1x80x48xf32, #tpu.memory_space<vmem>>
      %dma_wait3A_250 = tpu.memref_squeeze %dma_wait3A_249 : memref<1x80x48xf32, #tpu.memory_space<vmem>> -> memref<80x48xf32, #tpu.memory_space<vmem>>
      %dma_wait3A_251 = arith.constant 0 : i32
      %dma_wait3A_252 = arith.constant 0 : i32
      %dma_wait3A_253 = tpu.memref_slice %arg2[%dma_wait3A_251, %dma_wait3A_252] : memref<320000x48xf32, #tpu.memory_space<hbm>> -> memref<80x48xf32, #tpu.memory_space<hbm>>
      tpu.wait_dma2 semaphore(%dma_wait3A_246 : memref<!tpu.dma_semaphore, #tpu.memory_space<semaphore_mem>>) src(%dma_wait3A_253 : memref<80x48xf32, #tpu.memory_space<hbm>>) dst(%dma_wait3A_250 : memref<80x48xf32, #tpu.memory_space<vmem>>)
      %mul3A_254 = arith.constant 5 : i32
      %mul3A_255 = arith.muli %scan3A_199, %mul3A_254 : i32
      %add3A_256 = arith.constant 1 : i32
      %add3A_257 = arith.addi %mul3A_255, %add3A_256 : i32
      %dma_start3A_258 = arith.constant 1 : i32
      %dma_start3A_259 = arith.constant 1 : i32
      %dma_start3A_260 = arith.constant 0 : i32
      %dma_start3A_261 = arith.constant 0 : i32
      %dma_start3A_262 = tpu.memref_slice %arg7[%dma_start3A_258, %dma_start3A_260, %dma_start3A_261] : memref<5x80x48xf32, #tpu.memory_space<vmem>> -> memref<1x80x48xf32, #tpu.memory_space<vmem>>
      %dma_start3A_263 = tpu.memref_squeeze %dma_start3A_262 : memref<1x80x48xf32, #tpu.memory_space<vmem>> -> memref<80x48xf32, #tpu.memory_space<vmem>>
      %dma_start3A_264 = arith.constant 0 : i32
      %dma_start3A_265 = tpu.memref_slice %arg6[%add3A_257, %dma_start3A_264] : memref<125x80xi32, #tpu.memory_space<vmem>> -> memref<1x80xi32, #tpu.memory_space<vmem>>
      %dma_start3A_266 = tpu.memref_squeeze %dma_start3A_265 : memref<1x80xi32, #tpu.memory_space<vmem>> -> memref<80xi32, #tpu.memory_space<vmem>>
      %dma_start3A_267 = arith.constant 0 : i32
      %dma_start3A_268 = arith.constant 0 : i32
      %dma_start3A_269 = tpu.memref_slice %arg8[%dma_start3A_267, %dma_start3A_268] : memref<10240x48xf32, #tpu.memory_space<vmem_shared>> -> memref<10240x48xf32, #tpu.memory_space<vmem_shared>>
      %dma_start3A_270 = tpu.memref_slice %arg10[%dma_start3A_259] : memref<5x!tpu.dma_semaphore, #tpu.memory_space<semaphore_mem>> -> memref<1x!tpu.dma_semaphore, #tpu.memory_space<semaphore_mem>>
      %dma_start3A_271 = tpu.memref_squeeze %dma_start3A_270 : memref<1x!tpu.dma_semaphore, #tpu.memory_space<semaphore_mem>> -> memref<!tpu.dma_semaphore, #tpu.memory_space<semaphore_mem>>
      tpu.enqueue_indirect_dma source(%dma_start3A_263 : memref<80x48xf32, #tpu.memory_space<vmem>>) target(%dma_start3A_269 : memref<10240x48xf32, #tpu.memory_space<vmem_shared>>) offsets(%dma_start3A_266 : memref<80xi32, #tpu.memory_space<vmem>>) semaphore(%dma_start3A_271 : memref<!tpu.dma_semaphore, #tpu.memory_space<semaphore_mem>>) {add = true}
      %dma_wait3A_272 = arith.constant 2 : i32
      %dma_wait3A_273 = arith.constant 2 : i32
      %dma_wait3A_274 = arith.constant 0 : i32
      %dma_wait3A_275 = arith.constant 0 : i32
      %dma_wait3A_276 = tpu.memref_slice %arg7[%dma_wait3A_272, %dma_wait3A_274, %dma_wait3A_275] : memref<5x80x48xf32, #tpu.memory_space<vmem>> -> memref<1x80x48xf32, #tpu.memory_space<vmem>>
      %dma_wait3A_277 = tpu.memref_squeeze %dma_wait3A_276 : memref<1x80x48xf32, #tpu.memory_space<vmem>> -> memref<80x48xf32, #tpu.memory_space<vmem>>
      %dma_wait3A_278 = arith.constant 0 : i32
      %dma_wait3A_279 = arith.constant 0 : i32
      %dma_wait3A_280 = tpu.memref_slice %arg2[%dma_wait3A_278, %dma_wait3A_279] : memref<320000x48xf32, #tpu.memory_space<hbm>> -> memref<80x48xf32, #tpu.memory_space<hbm>>
      %dma_wait3A_281 = tpu.memref_slice %arg9[%dma_wait3A_273] : memref<5x!tpu.dma_semaphore, #tpu.memory_space<semaphore_mem>> -> memref<1x!tpu.dma_semaphore, #tpu.memory_space<semaphore_mem>>
      %dma_wait3A_282 = tpu.memref_squeeze %dma_wait3A_281 : memref<1x!tpu.dma_semaphore, #tpu.memory_space<semaphore_mem>> -> memref<!tpu.dma_semaphore, #tpu.memory_space<semaphore_mem>>
      %dma_wait3A_283 = arith.constant 0 : i32
      %dma_wait3A_284 = arith.constant 0 : i32
      %dma_wait3A_285 = tpu.memref_slice %arg7[%dma_wait3A_272, %dma_wait3A_283, %dma_wait3A_284] : memref<5x80x48xf32, #tpu.memory_space<vmem>> -> memref<1x80x48xf32, #tpu.memory_space<vmem>>
      %dma_wait3A_286 = tpu.memref_squeeze %dma_wait3A_285 : memref<1x80x48xf32, #tpu.memory_space<vmem>> -> memref<80x48xf32, #tpu.memory_space<vmem>>
      %dma_wait3A_287 = arith.constant 0 : i32
      %dma_wait3A_288 = arith.constant 0 : i32
      %dma_wait3A_289 = tpu.memref_slice %arg2[%dma_wait3A_287, %dma_wait3A_288] : memref<320000x48xf32, #tpu.memory_space<hbm>> -> memref<80x48xf32, #tpu.memory_space<hbm>>
      tpu.wait_dma2 semaphore(%dma_wait3A_282 : memref<!tpu.dma_semaphore, #tpu.memory_space<semaphore_mem>>) src(%dma_wait3A_289 : memref<80x48xf32, #tpu.memory_space<hbm>>) dst(%dma_wait3A_286 : memref<80x48xf32, #tpu.memory_space<vmem>>)
      %mul3A_290 = arith.constant 5 : i32
      %mul3A_291 = arith.muli %scan3A_199, %mul3A_290 : i32
      %add3A_292 = arith.constant 2 : i32
      %add3A_293 = arith.addi %mul3A_291, %add3A_292 : i32
      %dma_start3A_294 = arith.constant 2 : i32
      %dma_start3A_295 = arith.constant 2 : i32
      %dma_start3A_296 = arith.constant 0 : i32
      %dma_start3A_297 = arith.constant 0 : i32
      %dma_start3A_298 = tpu.memref_slice %arg7[%dma_start3A_294, %dma_start3A_296, %dma_start3A_297] : memref<5x80x48xf32, #tpu.memory_space<vmem>> -> memref<1x80x48xf32, #tpu.memory_space<vmem>>
      %dma_start3A_299 = tpu.memref_squeeze %dma_start3A_298 : memref<1x80x48xf32, #tpu.memory_space<vmem>> -> memref<80x48xf32, #tpu.memory_space<vmem>>
      %dma_start3A_300 = arith.constant 0 : i32
      %dma_start3A_301 = tpu.memref_slice %arg6[%add3A_293, %dma_start3A_300] : memref<125x80xi32, #tpu.memory_space<vmem>> -> memref<1x80xi32, #tpu.memory_space<vmem>>
      %dma_start3A_302 = tpu.memref_squeeze %dma_start3A_301 : memref<1x80xi32, #tpu.memory_space<vmem>> -> memref<80xi32, #tpu.memory_space<vmem>>
      %dma_start3A_303 = arith.constant 0 : i32
      %dma_start3A_304 = arith.constant 0 : i32
      %dma_start3A_305 = tpu.memref_slice %arg8[%dma_start3A_303, %dma_start3A_304] : memref<10240x48xf32, #tpu.memory_space<vmem_shared>> -> memref<10240x48xf32, #tpu.memory_space<vmem_shared>>
      %dma_start3A_306 = tpu.memref_slice %arg10[%dma_start3A_295] : memref<5x!tpu.dma_semaphore, #tpu.memory_space<semaphore_mem>> -> memref<1x!tpu.dma_semaphore, #tpu.memory_space<semaphore_mem>>
      %dma_start3A_307 = tpu.memref_squeeze %dma_start3A_306 : memref<1x!tpu.dma_semaphore, #tpu.memory_space<semaphore_mem>> -> memref<!tpu.dma_semaphore, #tpu.memory_space<semaphore_mem>>
      tpu.enqueue_indirect_dma source(%dma_start3A_299 : memref<80x48xf32, #tpu.memory_space<vmem>>) target(%dma_start3A_305 : memref<10240x48xf32, #tpu.memory_space<vmem_shared>>) offsets(%dma_start3A_302 : memref<80xi32, #tpu.memory_space<vmem>>) semaphore(%dma_start3A_307 : memref<!tpu.dma_semaphore, #tpu.memory_space<semaphore_mem>>) {add = true}
      %dma_wait3A_308 = arith.constant 3 : i32
      %dma_wait3A_309 = arith.constant 3 : i32
      %dma_wait3A_310 = arith.constant 0 : i32
      %dma_wait3A_311 = arith.constant 0 : i32
      %dma_wait3A_312 = tpu.memref_slice %arg7[%dma_wait3A_308, %dma_wait3A_310, %dma_wait3A_311] : memref<5x80x48xf32, #tpu.memory_space<vmem>> -> memref<1x80x48xf32, #tpu.memory_space<vmem>>
      %dma_wait3A_313 = tpu.memref_squeeze %dma_wait3A_312 : memref<1x80x48xf32, #tpu.memory_space<vmem>> -> memref<80x48xf32, #tpu.memory_space<vmem>>
      %dma_wait3A_314 = arith.constant 0 : i32
      %dma_wait3A_315 = arith.constant 0 : i32
      %dma_wait3A_316 = tpu.memref_slice %arg2[%dma_wait3A_314, %dma_wait3A_315] : memref<320000x48xf32, #tpu.memory_space<hbm>> -> memref<80x48xf32, #tpu.memory_space<hbm>>
      %dma_wait3A_317 = tpu.memref_slice %arg9[%dma_wait3A_309] : memref<5x!tpu.dma_semaphore, #tpu.memory_space<semaphore_mem>> -> memref<1x!tpu.dma_semaphore, #tpu.memory_space<semaphore_mem>>
      %dma_wait3A_318 = tpu.memref_squeeze %dma_wait3A_317 : memref<1x!tpu.dma_semaphore, #tpu.memory_space<semaphore_mem>> -> memref<!tpu.dma_semaphore, #tpu.memory_space<semaphore_mem>>
      %dma_wait3A_319 = arith.constant 0 : i32
      %dma_wait3A_320 = arith.constant 0 : i32
      %dma_wait3A_321 = tpu.memref_slice %arg7[%dma_wait3A_308, %dma_wait3A_319, %dma_wait3A_320] : memref<5x80x48xf32, #tpu.memory_space<vmem>> -> memref<1x80x48xf32, #tpu.memory_space<vmem>>
      %dma_wait3A_322 = tpu.memref_squeeze %dma_wait3A_321 : memref<1x80x48xf32, #tpu.memory_space<vmem>> -> memref<80x48xf32, #tpu.memory_space<vmem>>
      %dma_wait3A_323 = arith.constant 0 : i32
      %dma_wait3A_324 = arith.constant 0 : i32
      %dma_wait3A_325 = tpu.memref_slice %arg2[%dma_wait3A_323, %dma_wait3A_324] : memref<320000x48xf32, #tpu.memory_space<hbm>> -> memref<80x48xf32, #tpu.memory_space<hbm>>
      tpu.wait_dma2 semaphore(%dma_wait3A_318 : memref<!tpu.dma_semaphore, #tpu.memory_space<semaphore_mem>>) src(%dma_wait3A_325 : memref<80x48xf32, #tpu.memory_space<hbm>>) dst(%dma_wait3A_322 : memref<80x48xf32, #tpu.memory_space<vmem>>)
      %mul3A_326 = arith.constant 5 : i32
      %mul3A_327 = arith.muli %scan3A_199, %mul3A_326 : i32
      %add3A_328 = arith.constant 3 : i32
      %add3A_329 = arith.addi %mul3A_327, %add3A_328 : i32
      %dma_start3A_330 = arith.constant 3 : i32
      %dma_start3A_331 = arith.constant 3 : i32
      %dma_start3A_332 = arith.constant 0 : i32
      %dma_start3A_333 = arith.constant 0 : i32
      %dma_start3A_334 = tpu.memref_slice %arg7[%dma_start3A_330, %dma_start3A_332, %dma_start3A_333] : memref<5x80x48xf32, #tpu.memory_space<vmem>> -> memref<1x80x48xf32, #tpu.memory_space<vmem>>
      %dma_start3A_335 = tpu.memref_squeeze %dma_start3A_334 : memref<1x80x48xf32, #tpu.memory_space<vmem>> -> memref<80x48xf32, #tpu.memory_space<vmem>>
      %dma_start3A_336 = arith.constant 0 : i32
      %dma_start3A_337 = tpu.memref_slice %arg6[%add3A_329, %dma_start3A_336] : memref<125x80xi32, #tpu.memory_space<vmem>> -> memref<1x80xi32, #tpu.memory_space<vmem>>
      %dma_start3A_338 = tpu.memref_squeeze %dma_start3A_337 : memref<1x80xi32, #tpu.memory_space<vmem>> -> memref<80xi32, #tpu.memory_space<vmem>>
      %dma_start3A_339 = arith.constant 0 : i32
      %dma_start3A_340 = arith.constant 0 : i32
      %dma_start3A_341 = tpu.memref_slice %arg8[%dma_start3A_339, %dma_start3A_340] : memref<10240x48xf32, #tpu.memory_space<vmem_shared>> -> memref<10240x48xf32, #tpu.memory_space<vmem_shared>>
      %dma_start3A_342 = tpu.memref_slice %arg10[%dma_start3A_331] : memref<5x!tpu.dma_semaphore, #tpu.memory_space<semaphore_mem>> -> memref<1x!tpu.dma_semaphore, #tpu.memory_space<semaphore_mem>>
      %dma_start3A_343 = tpu.memref_squeeze %dma_start3A_342 : memref<1x!tpu.dma_semaphore, #tpu.memory_space<semaphore_mem>> -> memref<!tpu.dma_semaphore, #tpu.memory_space<semaphore_mem>>
      tpu.enqueue_indirect_dma source(%dma_start3A_335 : memref<80x48xf32, #tpu.memory_space<vmem>>) target(%dma_start3A_341 : memref<10240x48xf32, #tpu.memory_space<vmem_shared>>) offsets(%dma_start3A_338 : memref<80xi32, #tpu.memory_space<vmem>>) semaphore(%dma_start3A_343 : memref<!tpu.dma_semaphore, #tpu.memory_space<semaphore_mem>>) {add = true}
      %dma_wait3A_344 = arith.constant 4 : i32
      %dma_wait3A_345 = arith.constant 4 : i32
      %dma_wait3A_346 = arith.constant 0 : i32
      %dma_wait3A_347 = arith.constant 0 : i32
      %dma_wait3A_348 = tpu.memref_slice %arg7[%dma_wait3A_344, %dma_wait3A_346, %dma_wait3A_347] : memref<5x80x48xf32, #tpu.memory_space<vmem>> -> memref<1x80x48xf32, #tpu.memory_space<vmem>>
      %dma_wait3A_349 = tpu.memref_squeeze %dma_wait3A_348 : memref<1x80x48xf32, #tpu.memory_space<vmem>> -> memref<80x48xf32, #tpu.memory_space<vmem>>
      %dma_wait3A_350 = arith.constant 0 : i32
      %dma_wait3A_351 = arith.constant 0 : i32
      %dma_wait3A_352 = tpu.memref_slice %arg2[%dma_wait3A_350, %dma_wait3A_351] : memref<320000x48xf32, #tpu.memory_space<hbm>> -> memref<80x48xf32, #tpu.memory_space<hbm>>
      %dma_wait3A_353 = tpu.memref_slice %arg9[%dma_wait3A_345] : memref<5x!tpu.dma_semaphore, #tpu.memory_space<semaphore_mem>> -> memref<1x!tpu.dma_semaphore, #tpu.memory_space<semaphore_mem>>
      %dma_wait3A_354 = tpu.memref_squeeze %dma_wait3A_353 : memref<1x!tpu.dma_semaphore, #tpu.memory_space<semaphore_mem>> -> memref<!tpu.dma_semaphore, #tpu.memory_space<semaphore_mem>>
      %dma_wait3A_355 = arith.constant 0 : i32
      %dma_wait3A_356 = arith.constant 0 : i32
      %dma_wait3A_357 = tpu.memref_slice %arg7[%dma_wait3A_344, %dma_wait3A_355, %dma_wait3A_356] : memref<5x80x48xf32, #tpu.memory_space<vmem>> -> memref<1x80x48xf32, #tpu.memory_space<vmem>>
      %dma_wait3A_358 = tpu.memref_squeeze %dma_wait3A_357 : memref<1x80x48xf32, #tpu.memory_space<vmem>> -> memref<80x48xf32, #tpu.memory_space<vmem>>
      %dma_wait3A_359 = arith.constant 0 : i32
      %dma_wait3A_360 = arith.constant 0 : i32
      %dma_wait3A_361 = tpu.memref_slice %arg2[%dma_wait3A_359, %dma_wait3A_360] : memref<320000x48xf32, #tpu.memory_space<hbm>> -> memref<80x48xf32, #tpu.memory_space<hbm>>
      tpu.wait_dma2 semaphore(%dma_wait3A_354 : memref<!tpu.dma_semaphore, #tpu.memory_space<semaphore_mem>>) src(%dma_wait3A_361 : memref<80x48xf32, #tpu.memory_space<hbm>>) dst(%dma_wait3A_358 : memref<80x48xf32, #tpu.memory_space<vmem>>)
      %mul3A_362 = arith.constant 5 : i32
      %mul3A_363 = arith.muli %scan3A_199, %mul3A_362 : i32
      %add3A_364 = arith.constant 4 : i32
      %add3A_365 = arith.addi %mul3A_363, %add3A_364 : i32
      %dma_start3A_366 = arith.constant 4 : i32
      %dma_start3A_367 = arith.constant 4 : i32
      %dma_start3A_368 = arith.constant 0 : i32
      %dma_start3A_369 = arith.constant 0 : i32
      %dma_start3A_370 = tpu.memref_slice %arg7[%dma_start3A_366, %dma_start3A_368, %dma_start3A_369] : memref<5x80x48xf32, #tpu.memory_space<vmem>> -> memref<1x80x48xf32, #tpu.memory_space<vmem>>
      %dma_start3A_371 = tpu.memref_squeeze %dma_start3A_370 : memref<1x80x48xf32, #tpu.memory_space<vmem>> -> memref<80x48xf32, #tpu.memory_space<vmem>>
      %dma_start3A_372 = arith.constant 0 : i32
      %dma_start3A_373 = tpu.memref_slice %arg6[%add3A_365, %dma_start3A_372] : memref<125x80xi32, #tpu.memory_space<vmem>> -> memref<1x80xi32, #tpu.memory_space<vmem>>
      %dma_start3A_374 = tpu.memref_squeeze %dma_start3A_373 : memref<1x80xi32, #tpu.memory_space<vmem>> -> memref<80xi32, #tpu.memory_space<vmem>>
      %dma_start3A_375 = arith.constant 0 : i32
      %dma_start3A_376 = arith.constant 0 : i32
      %dma_start3A_377 = tpu.memref_slice %arg8[%dma_start3A_375, %dma_start3A_376] : memref<10240x48xf32, #tpu.memory_space<vmem_shared>> -> memref<10240x48xf32, #tpu.memory_space<vmem_shared>>
      %dma_start3A_378 = tpu.memref_slice %arg10[%dma_start3A_367] : memref<5x!tpu.dma_semaphore, #tpu.memory_space<semaphore_mem>> -> memref<1x!tpu.dma_semaphore, #tpu.memory_space<semaphore_mem>>
      %dma_start3A_379 = tpu.memref_squeeze %dma_start3A_378 : memref<1x!tpu.dma_semaphore, #tpu.memory_space<semaphore_mem>> -> memref<!tpu.dma_semaphore, #tpu.memory_space<semaphore_mem>>
      tpu.enqueue_indirect_dma source(%dma_start3A_371 : memref<80x48xf32, #tpu.memory_space<vmem>>) target(%dma_start3A_377 : memref<10240x48xf32, #tpu.memory_space<vmem_shared>>) offsets(%dma_start3A_374 : memref<80xi32, #tpu.memory_space<vmem>>) semaphore(%dma_start3A_379 : memref<!tpu.dma_semaphore, #tpu.memory_space<semaphore_mem>>) {add = true}
      %mul3A_380 = arith.constant 5 : i32
      %mul3A_381 = arith.muli %scan3A_199, %mul3A_380 : i32
      %add3A_382 = arith.constant 0 : i32
      %add3A_383 = arith.addi %mul3A_381, %add3A_382 : i32
      %add3A_384 = arith.constant 5 : i32
      %add3A_385 = arith.addi %add3A_383, %add3A_384 : i32
      %lt3A = arith.constant 125 : i32
      %lt3A_386 = arith.cmpi slt, %add3A_385, %lt3A : i32
      %convert_element_type3A = arith.extui %lt3A_386 : i1 to i32
      %cond3A = arith.constant 0 : i32
      %cond3A_387 = arith.cmpi ne, %convert_element_type3A, %cond3A : i32
      scf.if %cond3A_387 {
        %dma_wait3A_432 = arith.constant 0 : i32
        %dma_wait3A_433 = arith.constant 0 : i32
        %dma_wait3A_434 = arith.constant 0 : i32
        %dma_wait3A_435 = arith.constant 0 : i32
        %dma_wait3A_436 = tpu.memref_slice %arg7[%dma_wait3A_432, %dma_wait3A_434, %dma_wait3A_435] : memref<5x80x48xf32, #tpu.memory_space<vmem>> -> memref<1x80x48xf32, #tpu.memory_space<vmem>>
        %dma_wait3A_437 = tpu.memref_squeeze %dma_wait3A_436 : memref<1x80x48xf32, #tpu.memory_space<vmem>> -> memref<80x48xf32, #tpu.memory_space<vmem>>
        %dma_wait3A_438 = arith.constant 0 : i32
        %dma_wait3A_439 = arith.constant 0 : i32
        %dma_wait3A_440 = tpu.memref_slice %arg8[%dma_wait3A_438, %dma_wait3A_439] : memref<10240x48xf32, #tpu.memory_space<vmem_shared>> -> memref<80x48xf32, #tpu.memory_space<vmem_shared>>
        %dma_wait3A_441 = tpu.memref_slice %arg10[%dma_wait3A_433] : memref<5x!tpu.dma_semaphore, #tpu.memory_space<semaphore_mem>> -> memref<1x!tpu.dma_semaphore, #tpu.memory_space<semaphore_mem>>
        %dma_wait3A_442 = tpu.memref_squeeze %dma_wait3A_441 : memref<1x!tpu.dma_semaphore, #tpu.memory_space<semaphore_mem>> -> memref<!tpu.dma_semaphore, #tpu.memory_space<semaphore_mem>>
        %dma_wait3A_443 = arith.constant 0 : i32
        %dma_wait3A_444 = arith.constant 0 : i32
        %dma_wait3A_445 = tpu.memref_slice %arg8[%dma_wait3A_443, %dma_wait3A_444] : memref<10240x48xf32, #tpu.memory_space<vmem_shared>> -> memref<80x48xf32, #tpu.memory_space<vmem_shared>>
        %dma_wait3A_446 = arith.constant 0 : i32
        %dma_wait3A_447 = arith.constant 0 : i32
        %dma_wait3A_448 = tpu.memref_slice %arg7[%dma_wait3A_432, %dma_wait3A_446, %dma_wait3A_447] : memref<5x80x48xf32, #tpu.memory_space<vmem>> -> memref<1x80x48xf32, #tpu.memory_space<vmem>>
        %dma_wait3A_449 = tpu.memref_squeeze %dma_wait3A_448 : memref<1x80x48xf32, #tpu.memory_space<vmem>> -> memref<80x48xf32, #tpu.memory_space<vmem>>
        tpu.wait_dma2 semaphore(%dma_wait3A_442 : memref<!tpu.dma_semaphore, #tpu.memory_space<semaphore_mem>>) src(%dma_wait3A_449 : memref<80x48xf32, #tpu.memory_space<vmem>>) dst(%dma_wait3A_445 : memref<80x48xf32, #tpu.memory_space<vmem_shared>>)
        %add3A_450 = arith.constant 5 : i32
        %add3A_451 = arith.addi %add3A_383, %add3A_450 : i32
        %mul3A_452 = arith.constant 80 : i32
        %mul3A_453 = arith.muli %add3A_451, %mul3A_452 : i32
        %add3A_454 = arith.addi %mul3A_7, %mul3A_453 : i32
        %dma_start3A_455 = arith.constant 0 : i32
        %dma_start3A_456 = arith.constant 0 : i32
        %dma_start3A_457 = arith.constant 0 : i32
        %dma_start3A_458 = arith.constant 0 : i32
        %dma_start3A_459 = tpu.memref_slice %arg7[%dma_start3A_455, %dma_start3A_457, %dma_start3A_458] : memref<5x80x48xf32, #tpu.memory_space<vmem>> -> memref<1x80x48xf32, #tpu.memory_space<vmem>>
        %dma_start3A_460 = tpu.memref_squeeze %dma_start3A_459 : memref<1x80x48xf32, #tpu.memory_space<vmem>> -> memref<80x48xf32, #tpu.memory_space<vmem>>
        %dma_start3A_461 = arith.constant 0 : i32
        %dma_start3A_462 = tpu.memref_slice %arg2[%add3A_454, %dma_start3A_461] : memref<320000x48xf32, #tpu.memory_space<hbm>> -> memref<80x48xf32, #tpu.memory_space<hbm>>
        %dma_start3A_463 = tpu.memref_slice %arg9[%dma_start3A_456] : memref<5x!tpu.dma_semaphore, #tpu.memory_space<semaphore_mem>> -> memref<1x!tpu.dma_semaphore, #tpu.memory_space<semaphore_mem>>
        %dma_start3A_464 = tpu.memref_squeeze %dma_start3A_463 : memref<1x!tpu.dma_semaphore, #tpu.memory_space<semaphore_mem>> -> memref<!tpu.dma_semaphore, #tpu.memory_space<semaphore_mem>>
        %dma_start3A_465 = arith.constant 0 : i32
        %dma_start3A_466 = arith.constant 0 : i32
        %dma_start3A_467 = tpu.memref_slice %arg7[%dma_start3A_455, %dma_start3A_465, %dma_start3A_466] : memref<5x80x48xf32, #tpu.memory_space<vmem>> -> memref<1x80x48xf32, #tpu.memory_space<vmem>>
        %dma_start3A_468 = tpu.memref_squeeze %dma_start3A_467 : memref<1x80x48xf32, #tpu.memory_space<vmem>> -> memref<80x48xf32, #tpu.memory_space<vmem>>
        %dma_start3A_469 = arith.constant 0 : i32
        %dma_start3A_470 = tpu.memref_slice %arg2[%add3A_454, %dma_start3A_469] : memref<320000x48xf32, #tpu.memory_space<hbm>> -> memref<80x48xf32, #tpu.memory_space<hbm>>
        tpu.enqueue_dma source(%dma_start3A_470 : memref<80x48xf32, #tpu.memory_space<hbm>>) target(%dma_start3A_468 : memref<80x48xf32, #tpu.memory_space<vmem>>) target_semaphore(%dma_start3A_464 : memref<!tpu.dma_semaphore, #tpu.memory_space<semaphore_mem>>)
      } else {
      }
      %mul3A_388 = arith.constant 5 : i32
      %mul3A_389 = arith.muli %scan3A_199, %mul3A_388 : i32
      %add3A_390 = arith.constant 1 : i32
      %add3A_391 = arith.addi %mul3A_389, %add3A_390 : i32
      %add3A_392 = arith.constant 5 : i32
      %add3A_393 = arith.addi %add3A_391, %add3A_392 : i32
      %lt3A_394 = arith.constant 125 : i32
      %lt3A_395 = arith.cmpi slt, %add3A_393, %lt3A_394 : i32
      %convert_element_type3A_396 = arith.extui %lt3A_395 : i1 to i32
      %cond3A_397 = arith.constant 0 : i32
      %cond3A_398 = arith.cmpi ne, %convert_element_type3A_396, %cond3A_397 : i32
      scf.if %cond3A_398 {
        %dma_wait3A_432 = arith.constant 1 : i32
        %dma_wait3A_433 = arith.constant 1 : i32
        %dma_wait3A_434 = arith.constant 0 : i32
        %dma_wait3A_435 = arith.constant 0 : i32
        %dma_wait3A_436 = tpu.memref_slice %arg7[%dma_wait3A_432, %dma_wait3A_434, %dma_wait3A_435] : memref<5x80x48xf32, #tpu.memory_space<vmem>> -> memref<1x80x48xf32, #tpu.memory_space<vmem>>
        %dma_wait3A_437 = tpu.memref_squeeze %dma_wait3A_436 : memref<1x80x48xf32, #tpu.memory_space<vmem>> -> memref<80x48xf32, #tpu.memory_space<vmem>>
        %dma_wait3A_438 = arith.constant 0 : i32
        %dma_wait3A_439 = arith.constant 0 : i32
        %dma_wait3A_440 = tpu.memref_slice %arg8[%dma_wait3A_438, %dma_wait3A_439] : memref<10240x48xf32, #tpu.memory_space<vmem_shared>> -> memref<80x48xf32, #tpu.memory_space<vmem_shared>>
        %dma_wait3A_441 = tpu.memref_slice %arg10[%dma_wait3A_433] : memref<5x!tpu.dma_semaphore, #tpu.memory_space<semaphore_mem>> -> memref<1x!tpu.dma_semaphore, #tpu.memory_space<semaphore_mem>>
        %dma_wait3A_442 = tpu.memref_squeeze %dma_wait3A_441 : memref<1x!tpu.dma_semaphore, #tpu.memory_space<semaphore_mem>> -> memref<!tpu.dma_semaphore, #tpu.memory_space<semaphore_mem>>
        %dma_wait3A_443 = arith.constant 0 : i32
        %dma_wait3A_444 = arith.constant 0 : i32
        %dma_wait3A_445 = tpu.memref_slice %arg8[%dma_wait3A_443, %dma_wait3A_444] : memref<10240x48xf32, #tpu.memory_space<vmem_shared>> -> memref<80x48xf32, #tpu.memory_space<vmem_shared>>
        %dma_wait3A_446 = arith.constant 0 : i32
        %dma_wait3A_447 = arith.constant 0 : i32
        %dma_wait3A_448 = tpu.memref_slice %arg7[%dma_wait3A_432, %dma_wait3A_446, %dma_wait3A_447] : memref<5x80x48xf32, #tpu.memory_space<vmem>> -> memref<1x80x48xf32, #tpu.memory_space<vmem>>
        %dma_wait3A_449 = tpu.memref_squeeze %dma_wait3A_448 : memref<1x80x48xf32, #tpu.memory_space<vmem>> -> memref<80x48xf32, #tpu.memory_space<vmem>>
        tpu.wait_dma2 semaphore(%dma_wait3A_442 : memref<!tpu.dma_semaphore, #tpu.memory_space<semaphore_mem>>) src(%dma_wait3A_449 : memref<80x48xf32, #tpu.memory_space<vmem>>) dst(%dma_wait3A_445 : memref<80x48xf32, #tpu.memory_space<vmem_shared>>)
        %add3A_450 = arith.constant 5 : i32
        %add3A_451 = arith.addi %add3A_391, %add3A_450 : i32
        %mul3A_452 = arith.constant 80 : i32
        %mul3A_453 = arith.muli %add3A_451, %mul3A_452 : i32
        %add3A_454 = arith.addi %mul3A_7, %mul3A_453 : i32
        %dma_start3A_455 = arith.constant 1 : i32
        %dma_start3A_456 = arith.constant 1 : i32
        %dma_start3A_457 = arith.constant 0 : i32
        %dma_start3A_458 = arith.constant 0 : i32
        %dma_start3A_459 = tpu.memref_slice %arg7[%dma_start3A_455, %dma_start3A_457, %dma_start3A_458] : memref<5x80x48xf32, #tpu.memory_space<vmem>> -> memref<1x80x48xf32, #tpu.memory_space<vmem>>
        %dma_start3A_460 = tpu.memref_squeeze %dma_start3A_459 : memref<1x80x48xf32, #tpu.memory_space<vmem>> -> memref<80x48xf32, #tpu.memory_space<vmem>>
        %dma_start3A_461 = arith.constant 0 : i32
        %dma_start3A_462 = tpu.memref_slice %arg2[%add3A_454, %dma_start3A_461] : memref<320000x48xf32, #tpu.memory_space<hbm>> -> memref<80x48xf32, #tpu.memory_space<hbm>>
        %dma_start3A_463 = tpu.memref_slice %arg9[%dma_start3A_456] : memref<5x!tpu.dma_semaphore, #tpu.memory_space<semaphore_mem>> -> memref<1x!tpu.dma_semaphore, #tpu.memory_space<semaphore_mem>>
        %dma_start3A_464 = tpu.memref_squeeze %dma_start3A_463 : memref<1x!tpu.dma_semaphore, #tpu.memory_space<semaphore_mem>> -> memref<!tpu.dma_semaphore, #tpu.memory_space<semaphore_mem>>
        %dma_start3A_465 = arith.constant 0 : i32
        %dma_start3A_466 = arith.constant 0 : i32
        %dma_start3A_467 = tpu.memref_slice %arg7[%dma_start3A_455, %dma_start3A_465, %dma_start3A_466] : memref<5x80x48xf32, #tpu.memory_space<vmem>> -> memref<1x80x48xf32, #tpu.memory_space<vmem>>
        %dma_start3A_468 = tpu.memref_squeeze %dma_start3A_467 : memref<1x80x48xf32, #tpu.memory_space<vmem>> -> memref<80x48xf32, #tpu.memory_space<vmem>>
        %dma_start3A_469 = arith.constant 0 : i32
        %dma_start3A_470 = tpu.memref_slice %arg2[%add3A_454, %dma_start3A_469] : memref<320000x48xf32, #tpu.memory_space<hbm>> -> memref<80x48xf32, #tpu.memory_space<hbm>>
        tpu.enqueue_dma source(%dma_start3A_470 : memref<80x48xf32, #tpu.memory_space<hbm>>) target(%dma_start3A_468 : memref<80x48xf32, #tpu.memory_space<vmem>>) target_semaphore(%dma_start3A_464 : memref<!tpu.dma_semaphore, #tpu.memory_space<semaphore_mem>>)
      } else {
      }
      %mul3A_399 = arith.constant 5 : i32
      %mul3A_400 = arith.muli %scan3A_199, %mul3A_399 : i32
      %add3A_401 = arith.constant 2 : i32
      %add3A_402 = arith.addi %mul3A_400, %add3A_401 : i32
      %add3A_403 = arith.constant 5 : i32
      %add3A_404 = arith.addi %add3A_402, %add3A_403 : i32
      %lt3A_405 = arith.constant 125 : i32
      %lt3A_406 = arith.cmpi slt, %add3A_404, %lt3A_405 : i32
      %convert_element_type3A_407 = arith.extui %lt3A_406 : i1 to i32
      %cond3A_408 = arith.constant 0 : i32
      %cond3A_409 = arith.cmpi ne, %convert_element_type3A_407, %cond3A_408 : i32
      scf.if %cond3A_409 {
        %dma_wait3A_432 = arith.constant 2 : i32
        %dma_wait3A_433 = arith.constant 2 : i32
        %dma_wait3A_434 = arith.constant 0 : i32
        %dma_wait3A_435 = arith.constant 0 : i32
        %dma_wait3A_436 = tpu.memref_slice %arg7[%dma_wait3A_432, %dma_wait3A_434, %dma_wait3A_435] : memref<5x80x48xf32, #tpu.memory_space<vmem>> -> memref<1x80x48xf32, #tpu.memory_space<vmem>>
        %dma_wait3A_437 = tpu.memref_squeeze %dma_wait3A_436 : memref<1x80x48xf32, #tpu.memory_space<vmem>> -> memref<80x48xf32, #tpu.memory_space<vmem>>
        %dma_wait3A_438 = arith.constant 0 : i32
        %dma_wait3A_439 = arith.constant 0 : i32
        %dma_wait3A_440 = tpu.memref_slice %arg8[%dma_wait3A_438, %dma_wait3A_439] : memref<10240x48xf32, #tpu.memory_space<vmem_shared>> -> memref<80x48xf32, #tpu.memory_space<vmem_shared>>
        %dma_wait3A_441 = tpu.memref_slice %arg10[%dma_wait3A_433] : memref<5x!tpu.dma_semaphore, #tpu.memory_space<semaphore_mem>> -> memref<1x!tpu.dma_semaphore, #tpu.memory_space<semaphore_mem>>
        %dma_wait3A_442 = tpu.memref_squeeze %dma_wait3A_441 : memref<1x!tpu.dma_semaphore, #tpu.memory_space<semaphore_mem>> -> memref<!tpu.dma_semaphore, #tpu.memory_space<semaphore_mem>>
        %dma_wait3A_443 = arith.constant 0 : i32
        %dma_wait3A_444 = arith.constant 0 : i32
        %dma_wait3A_445 = tpu.memref_slice %arg8[%dma_wait3A_443, %dma_wait3A_444] : memref<10240x48xf32, #tpu.memory_space<vmem_shared>> -> memref<80x48xf32, #tpu.memory_space<vmem_shared>>
        %dma_wait3A_446 = arith.constant 0 : i32
        %dma_wait3A_447 = arith.constant 0 : i32
        %dma_wait3A_448 = tpu.memref_slice %arg7[%dma_wait3A_432, %dma_wait3A_446, %dma_wait3A_447] : memref<5x80x48xf32, #tpu.memory_space<vmem>> -> memref<1x80x48xf32, #tpu.memory_space<vmem>>
        %dma_wait3A_449 = tpu.memref_squeeze %dma_wait3A_448 : memref<1x80x48xf32, #tpu.memory_space<vmem>> -> memref<80x48xf32, #tpu.memory_space<vmem>>
        tpu.wait_dma2 semaphore(%dma_wait3A_442 : memref<!tpu.dma_semaphore, #tpu.memory_space<semaphore_mem>>) src(%dma_wait3A_449 : memref<80x48xf32, #tpu.memory_space<vmem>>) dst(%dma_wait3A_445 : memref<80x48xf32, #tpu.memory_space<vmem_shared>>)
        %add3A_450 = arith.constant 5 : i32
        %add3A_451 = arith.addi %add3A_402, %add3A_450 : i32
        %mul3A_452 = arith.constant 80 : i32
        %mul3A_453 = arith.muli %add3A_451, %mul3A_452 : i32
        %add3A_454 = arith.addi %mul3A_7, %mul3A_453 : i32
        %dma_start3A_455 = arith.constant 2 : i32
        %dma_start3A_456 = arith.constant 2 : i32
        %dma_start3A_457 = arith.constant 0 : i32
        %dma_start3A_458 = arith.constant 0 : i32
        %dma_start3A_459 = tpu.memref_slice %arg7[%dma_start3A_455, %dma_start3A_457, %dma_start3A_458] : memref<5x80x48xf32, #tpu.memory_space<vmem>> -> memref<1x80x48xf32, #tpu.memory_space<vmem>>
        %dma_start3A_460 = tpu.memref_squeeze %dma_start3A_459 : memref<1x80x48xf32, #tpu.memory_space<vmem>> -> memref<80x48xf32, #tpu.memory_space<vmem>>
        %dma_start3A_461 = arith.constant 0 : i32
        %dma_start3A_462 = tpu.memref_slice %arg2[%add3A_454, %dma_start3A_461] : memref<320000x48xf32, #tpu.memory_space<hbm>> -> memref<80x48xf32, #tpu.memory_space<hbm>>
        %dma_start3A_463 = tpu.memref_slice %arg9[%dma_start3A_456] : memref<5x!tpu.dma_semaphore, #tpu.memory_space<semaphore_mem>> -> memref<1x!tpu.dma_semaphore, #tpu.memory_space<semaphore_mem>>
        %dma_start3A_464 = tpu.memref_squeeze %dma_start3A_463 : memref<1x!tpu.dma_semaphore, #tpu.memory_space<semaphore_mem>> -> memref<!tpu.dma_semaphore, #tpu.memory_space<semaphore_mem>>
        %dma_start3A_465 = arith.constant 0 : i32
        %dma_start3A_466 = arith.constant 0 : i32
        %dma_start3A_467 = tpu.memref_slice %arg7[%dma_start3A_455, %dma_start3A_465, %dma_start3A_466] : memref<5x80x48xf32, #tpu.memory_space<vmem>> -> memref<1x80x48xf32, #tpu.memory_space<vmem>>
        %dma_start3A_468 = tpu.memref_squeeze %dma_start3A_467 : memref<1x80x48xf32, #tpu.memory_space<vmem>> -> memref<80x48xf32, #tpu.memory_space<vmem>>
        %dma_start3A_469 = arith.constant 0 : i32
        %dma_start3A_470 = tpu.memref_slice %arg2[%add3A_454, %dma_start3A_469] : memref<320000x48xf32, #tpu.memory_space<hbm>> -> memref<80x48xf32, #tpu.memory_space<hbm>>
        tpu.enqueue_dma source(%dma_start3A_470 : memref<80x48xf32, #tpu.memory_space<hbm>>) target(%dma_start3A_468 : memref<80x48xf32, #tpu.memory_space<vmem>>) target_semaphore(%dma_start3A_464 : memref<!tpu.dma_semaphore, #tpu.memory_space<semaphore_mem>>)
      } else {
      }
      %mul3A_410 = arith.constant 5 : i32
      %mul3A_411 = arith.muli %scan3A_199, %mul3A_410 : i32
      %add3A_412 = arith.constant 3 : i32
      %add3A_413 = arith.addi %mul3A_411, %add3A_412 : i32
      %add3A_414 = arith.constant 5 : i32
      %add3A_415 = arith.addi %add3A_413, %add3A_414 : i32
      %lt3A_416 = arith.constant 125 : i32
      %lt3A_417 = arith.cmpi slt, %add3A_415, %lt3A_416 : i32
      %convert_element_type3A_418 = arith.extui %lt3A_417 : i1 to i32
      %cond3A_419 = arith.constant 0 : i32
      %cond3A_420 = arith.cmpi ne, %convert_element_type3A_418, %cond3A_419 : i32
      scf.if %cond3A_420 {
        %dma_wait3A_432 = arith.constant 3 : i32
        %dma_wait3A_433 = arith.constant 3 : i32
        %dma_wait3A_434 = arith.constant 0 : i32
        %dma_wait3A_435 = arith.constant 0 : i32
        %dma_wait3A_436 = tpu.memref_slice %arg7[%dma_wait3A_432, %dma_wait3A_434, %dma_wait3A_435] : memref<5x80x48xf32, #tpu.memory_space<vmem>> -> memref<1x80x48xf32, #tpu.memory_space<vmem>>
        %dma_wait3A_437 = tpu.memref_squeeze %dma_wait3A_436 : memref<1x80x48xf32, #tpu.memory_space<vmem>> -> memref<80x48xf32, #tpu.memory_space<vmem>>
        %dma_wait3A_438 = arith.constant 0 : i32
        %dma_wait3A_439 = arith.constant 0 : i32
        %dma_wait3A_440 = tpu.memref_slice %arg8[%dma_wait3A_438, %dma_wait3A_439] : memref<10240x48xf32, #tpu.memory_space<vmem_shared>> -> memref<80x48xf32, #tpu.memory_space<vmem_shared>>
        %dma_wait3A_441 = tpu.memref_slice %arg10[%dma_wait3A_433] : memref<5x!tpu.dma_semaphore, #tpu.memory_space<semaphore_mem>> -> memref<1x!tpu.dma_semaphore, #tpu.memory_space<semaphore_mem>>
        %dma_wait3A_442 = tpu.memref_squeeze %dma_wait3A_441 : memref<1x!tpu.dma_semaphore, #tpu.memory_space<semaphore_mem>> -> memref<!tpu.dma_semaphore, #tpu.memory_space<semaphore_mem>>
        %dma_wait3A_443 = arith.constant 0 : i32
        %dma_wait3A_444 = arith.constant 0 : i32
        %dma_wait3A_445 = tpu.memref_slice %arg8[%dma_wait3A_443, %dma_wait3A_444] : memref<10240x48xf32, #tpu.memory_space<vmem_shared>> -> memref<80x48xf32, #tpu.memory_space<vmem_shared>>
        %dma_wait3A_446 = arith.constant 0 : i32
        %dma_wait3A_447 = arith.constant 0 : i32
        %dma_wait3A_448 = tpu.memref_slice %arg7[%dma_wait3A_432, %dma_wait3A_446, %dma_wait3A_447] : memref<5x80x48xf32, #tpu.memory_space<vmem>> -> memref<1x80x48xf32, #tpu.memory_space<vmem>>
        %dma_wait3A_449 = tpu.memref_squeeze %dma_wait3A_448 : memref<1x80x48xf32, #tpu.memory_space<vmem>> -> memref<80x48xf32, #tpu.memory_space<vmem>>
        tpu.wait_dma2 semaphore(%dma_wait3A_442 : memref<!tpu.dma_semaphore, #tpu.memory_space<semaphore_mem>>) src(%dma_wait3A_449 : memref<80x48xf32, #tpu.memory_space<vmem>>) dst(%dma_wait3A_445 : memref<80x48xf32, #tpu.memory_space<vmem_shared>>)
        %add3A_450 = arith.constant 5 : i32
        %add3A_451 = arith.addi %add3A_413, %add3A_450 : i32
        %mul3A_452 = arith.constant 80 : i32
        %mul3A_453 = arith.muli %add3A_451, %mul3A_452 : i32
        %add3A_454 = arith.addi %mul3A_7, %mul3A_453 : i32
        %dma_start3A_455 = arith.constant 3 : i32
        %dma_start3A_456 = arith.constant 3 : i32
        %dma_start3A_457 = arith.constant 0 : i32
        %dma_start3A_458 = arith.constant 0 : i32
        %dma_start3A_459 = tpu.memref_slice %arg7[%dma_start3A_455, %dma_start3A_457, %dma_start3A_458] : memref<5x80x48xf32, #tpu.memory_space<vmem>> -> memref<1x80x48xf32, #tpu.memory_space<vmem>>
        %dma_start3A_460 = tpu.memref_squeeze %dma_start3A_459 : memref<1x80x48xf32, #tpu.memory_space<vmem>> -> memref<80x48xf32, #tpu.memory_space<vmem>>
        %dma_start3A_461 = arith.constant 0 : i32
        %dma_start3A_462 = tpu.memref_slice %arg2[%add3A_454, %dma_start3A_461] : memref<320000x48xf32, #tpu.memory_space<hbm>> -> memref<80x48xf32, #tpu.memory_space<hbm>>
        %dma_start3A_463 = tpu.memref_slice %arg9[%dma_start3A_456] : memref<5x!tpu.dma_semaphore, #tpu.memory_space<semaphore_mem>> -> memref<1x!tpu.dma_semaphore, #tpu.memory_space<semaphore_mem>>
        %dma_start3A_464 = tpu.memref_squeeze %dma_start3A_463 : memref<1x!tpu.dma_semaphore, #tpu.memory_space<semaphore_mem>> -> memref<!tpu.dma_semaphore, #tpu.memory_space<semaphore_mem>>
        %dma_start3A_465 = arith.constant 0 : i32
        %dma_start3A_466 = arith.constant 0 : i32
        %dma_start3A_467 = tpu.memref_slice %arg7[%dma_start3A_455, %dma_start3A_465, %dma_start3A_466] : memref<5x80x48xf32, #tpu.memory_space<vmem>> -> memref<1x80x48xf32, #tpu.memory_space<vmem>>
        %dma_start3A_468 = tpu.memref_squeeze %dma_start3A_467 : memref<1x80x48xf32, #tpu.memory_space<vmem>> -> memref<80x48xf32, #tpu.memory_space<vmem>>
        %dma_start3A_469 = arith.constant 0 : i32
        %dma_start3A_470 = tpu.memref_slice %arg2[%add3A_454, %dma_start3A_469] : memref<320000x48xf32, #tpu.memory_space<hbm>> -> memref<80x48xf32, #tpu.memory_space<hbm>>
        tpu.enqueue_dma source(%dma_start3A_470 : memref<80x48xf32, #tpu.memory_space<hbm>>) target(%dma_start3A_468 : memref<80x48xf32, #tpu.memory_space<vmem>>) target_semaphore(%dma_start3A_464 : memref<!tpu.dma_semaphore, #tpu.memory_space<semaphore_mem>>)
      } else {
      }
      %mul3A_421 = arith.constant 5 : i32
      %mul3A_422 = arith.muli %scan3A_199, %mul3A_421 : i32
      %add3A_423 = arith.constant 4 : i32
      %add3A_424 = arith.addi %mul3A_422, %add3A_423 : i32
      %add3A_425 = arith.constant 5 : i32
      %add3A_426 = arith.addi %add3A_424, %add3A_425 : i32
      %lt3A_427 = arith.constant 125 : i32
      %lt3A_428 = arith.cmpi slt, %add3A_426, %lt3A_427 : i32
      %convert_element_type3A_429 = arith.extui %lt3A_428 : i1 to i32
      %cond3A_430 = arith.constant 0 : i32
      %cond3A_431 = arith.cmpi ne, %convert_element_type3A_429, %cond3A_430 : i32
      scf.if %cond3A_431 {
        %dma_wait3A_432 = arith.constant 4 : i32
        %dma_wait3A_433 = arith.constant 4 : i32
        %dma_wait3A_434 = arith.constant 0 : i32
        %dma_wait3A_435 = arith.constant 0 : i32
        %dma_wait3A_436 = tpu.memref_slice %arg7[%dma_wait3A_432, %dma_wait3A_434, %dma_wait3A_435] : memref<5x80x48xf32, #tpu.memory_space<vmem>> -> memref<1x80x48xf32, #tpu.memory_space<vmem>>
        %dma_wait3A_437 = tpu.memref_squeeze %dma_wait3A_436 : memref<1x80x48xf32, #tpu.memory_space<vmem>> -> memref<80x48xf32, #tpu.memory_space<vmem>>
        %dma_wait3A_438 = arith.constant 0 : i32
        %dma_wait3A_439 = arith.constant 0 : i32
        %dma_wait3A_440 = tpu.memref_slice %arg8[%dma_wait3A_438, %dma_wait3A_439] : memref<10240x48xf32, #tpu.memory_space<vmem_shared>> -> memref<80x48xf32, #tpu.memory_space<vmem_shared>>
        %dma_wait3A_441 = tpu.memref_slice %arg10[%dma_wait3A_433] : memref<5x!tpu.dma_semaphore, #tpu.memory_space<semaphore_mem>> -> memref<1x!tpu.dma_semaphore, #tpu.memory_space<semaphore_mem>>
        %dma_wait3A_442 = tpu.memref_squeeze %dma_wait3A_441 : memref<1x!tpu.dma_semaphore, #tpu.memory_space<semaphore_mem>> -> memref<!tpu.dma_semaphore, #tpu.memory_space<semaphore_mem>>
        %dma_wait3A_443 = arith.constant 0 : i32
        %dma_wait3A_444 = arith.constant 0 : i32
        %dma_wait3A_445 = tpu.memref_slice %arg8[%dma_wait3A_443, %dma_wait3A_444] : memref<10240x48xf32, #tpu.memory_space<vmem_shared>> -> memref<80x48xf32, #tpu.memory_space<vmem_shared>>
        %dma_wait3A_446 = arith.constant 0 : i32
        %dma_wait3A_447 = arith.constant 0 : i32
        %dma_wait3A_448 = tpu.memref_slice %arg7[%dma_wait3A_432, %dma_wait3A_446, %dma_wait3A_447] : memref<5x80x48xf32, #tpu.memory_space<vmem>> -> memref<1x80x48xf32, #tpu.memory_space<vmem>>
        %dma_wait3A_449 = tpu.memref_squeeze %dma_wait3A_448 : memref<1x80x48xf32, #tpu.memory_space<vmem>> -> memref<80x48xf32, #tpu.memory_space<vmem>>
        tpu.wait_dma2 semaphore(%dma_wait3A_442 : memref<!tpu.dma_semaphore, #tpu.memory_space<semaphore_mem>>) src(%dma_wait3A_449 : memref<80x48xf32, #tpu.memory_space<vmem>>) dst(%dma_wait3A_445 : memref<80x48xf32, #tpu.memory_space<vmem_shared>>)
        %add3A_450 = arith.constant 5 : i32
        %add3A_451 = arith.addi %add3A_424, %add3A_450 : i32
        %mul3A_452 = arith.constant 80 : i32
        %mul3A_453 = arith.muli %add3A_451, %mul3A_452 : i32
        %add3A_454 = arith.addi %mul3A_7, %mul3A_453 : i32
        %dma_start3A_455 = arith.constant 4 : i32
        %dma_start3A_456 = arith.constant 4 : i32
        %dma_start3A_457 = arith.constant 0 : i32
        %dma_start3A_458 = arith.constant 0 : i32
        %dma_start3A_459 = tpu.memref_slice %arg7[%dma_start3A_455, %dma_start3A_457, %dma_start3A_458] : memref<5x80x48xf32, #tpu.memory_space<vmem>> -> memref<1x80x48xf32, #tpu.memory_space<vmem>>
        %dma_start3A_460 = tpu.memref_squeeze %dma_start3A_459 : memref<1x80x48xf32, #tpu.memory_space<vmem>> -> memref<80x48xf32, #tpu.memory_space<vmem>>
        %dma_start3A_461 = arith.constant 0 : i32
        %dma_start3A_462 = tpu.memref_slice %arg2[%add3A_454, %dma_start3A_461] : memref<320000x48xf32, #tpu.memory_space<hbm>> -> memref<80x48xf32, #tpu.memory_space<hbm>>
        %dma_start3A_463 = tpu.memref_slice %arg9[%dma_start3A_456] : memref<5x!tpu.dma_semaphore, #tpu.memory_space<semaphore_mem>> -> memref<1x!tpu.dma_semaphore, #tpu.memory_space<semaphore_mem>>
        %dma_start3A_464 = tpu.memref_squeeze %dma_start3A_463 : memref<1x!tpu.dma_semaphore, #tpu.memory_space<semaphore_mem>> -> memref<!tpu.dma_semaphore, #tpu.memory_space<semaphore_mem>>
        %dma_start3A_465 = arith.constant 0 : i32
        %dma_start3A_466 = arith.constant 0 : i32
        %dma_start3A_467 = tpu.memref_slice %arg7[%dma_start3A_455, %dma_start3A_465, %dma_start3A_466] : memref<5x80x48xf32, #tpu.memory_space<vmem>> -> memref<1x80x48xf32, #tpu.memory_space<vmem>>
        %dma_start3A_468 = tpu.memref_squeeze %dma_start3A_467 : memref<1x80x48xf32, #tpu.memory_space<vmem>> -> memref<80x48xf32, #tpu.memory_space<vmem>>
        %dma_start3A_469 = arith.constant 0 : i32
        %dma_start3A_470 = tpu.memref_slice %arg2[%add3A_454, %dma_start3A_469] : memref<320000x48xf32, #tpu.memory_space<hbm>> -> memref<80x48xf32, #tpu.memory_space<hbm>>
        tpu.enqueue_dma source(%dma_start3A_470 : memref<80x48xf32, #tpu.memory_space<hbm>>) target(%dma_start3A_468 : memref<80x48xf32, #tpu.memory_space<vmem>>) target_semaphore(%dma_start3A_464 : memref<!tpu.dma_semaphore, #tpu.memory_space<semaphore_mem>>)
      } else {
      }
    }
    %scan3A_102 = arith.constant 25 : i32
    %dma_wait3A = arith.constant 0 : i32
    %dma_wait3A_103 = arith.constant 0 : i32
    %dma_wait3A_104 = arith.constant 0 : i32
    %dma_wait3A_105 = arith.constant 0 : i32
    %dma_wait3A_106 = tpu.memref_slice %arg7[%dma_wait3A, %dma_wait3A_104, %dma_wait3A_105] : memref<5x80x48xf32, #tpu.memory_space<vmem>> -> memref<1x80x48xf32, #tpu.memory_space<vmem>>
    %dma_wait3A_107 = tpu.memref_squeeze %dma_wait3A_106 : memref<1x80x48xf32, #tpu.memory_space<vmem>> -> memref<80x48xf32, #tpu.memory_space<vmem>>
    %dma_wait3A_108 = arith.constant 0 : i32
    %dma_wait3A_109 = arith.constant 0 : i32
    %dma_wait3A_110 = tpu.memref_slice %arg8[%dma_wait3A_108, %dma_wait3A_109] : memref<10240x48xf32, #tpu.memory_space<vmem_shared>> -> memref<80x48xf32, #tpu.memory_space<vmem_shared>>
    %dma_wait3A_111 = tpu.memref_slice %arg10[%dma_wait3A_103] : memref<5x!tpu.dma_semaphore, #tpu.memory_space<semaphore_mem>> -> memref<1x!tpu.dma_semaphore, #tpu.memory_space<semaphore_mem>>
    %dma_wait3A_112 = tpu.memref_squeeze %dma_wait3A_111 : memref<1x!tpu.dma_semaphore, #tpu.memory_space<semaphore_mem>> -> memref<!tpu.dma_semaphore, #tpu.memory_space<semaphore_mem>>
    %dma_wait3A_113 = arith.constant 0 : i32
    %dma_wait3A_114 = arith.constant 0 : i32
    %dma_wait3A_115 = tpu.memref_slice %arg8[%dma_wait3A_113, %dma_wait3A_114] : memref<10240x48xf32, #tpu.memory_space<vmem_shared>> -> memref<80x48xf32, #tpu.memory_space<vmem_shared>>
    %dma_wait3A_116 = arith.constant 0 : i32
    %dma_wait3A_117 = arith.constant 0 : i32
    %dma_wait3A_118 = tpu.memref_slice %arg7[%dma_wait3A, %dma_wait3A_116, %dma_wait3A_117] : memref<5x80x48xf32, #tpu.memory_space<vmem>> -> memref<1x80x48xf32, #tpu.memory_space<vmem>>
    %dma_wait3A_119 = tpu.memref_squeeze %dma_wait3A_118 : memref<1x80x48xf32, #tpu.memory_space<vmem>> -> memref<80x48xf32, #tpu.memory_space<vmem>>
    tpu.wait_dma2 semaphore(%dma_wait3A_112 : memref<!tpu.dma_semaphore, #tpu.memory_space<semaphore_mem>>) src(%dma_wait3A_119 : memref<80x48xf32, #tpu.memory_space<vmem>>) dst(%dma_wait3A_115 : memref<80x48xf32, #tpu.memory_space<vmem_shared>>)
    %dma_wait3A_120 = arith.constant 1 : i32
    %dma_wait3A_121 = arith.constant 1 : i32
    %dma_wait3A_122 = arith.constant 0 : i32
    %dma_wait3A_123 = arith.constant 0 : i32
    %dma_wait3A_124 = tpu.memref_slice %arg7[%dma_wait3A_120, %dma_wait3A_122, %dma_wait3A_123] : memref<5x80x48xf32, #tpu.memory_space<vmem>> -> memref<1x80x48xf32, #tpu.memory_space<vmem>>
    %dma_wait3A_125 = tpu.memref_squeeze %dma_wait3A_124 : memref<1x80x48xf32, #tpu.memory_space<vmem>> -> memref<80x48xf32, #tpu.memory_space<vmem>>
    %dma_wait3A_126 = arith.constant 0 : i32
    %dma_wait3A_127 = arith.constant 0 : i32
    %dma_wait3A_128 = tpu.memref_slice %arg8[%dma_wait3A_126, %dma_wait3A_127] : memref<10240x48xf32, #tpu.memory_space<vmem_shared>> -> memref<80x48xf32, #tpu.memory_space<vmem_shared>>
    %dma_wait3A_129 = tpu.memref_slice %arg10[%dma_wait3A_121] : memref<5x!tpu.dma_semaphore, #tpu.memory_space<semaphore_mem>> -> memref<1x!tpu.dma_semaphore, #tpu.memory_space<semaphore_mem>>
    %dma_wait3A_130 = tpu.memref_squeeze %dma_wait3A_129 : memref<1x!tpu.dma_semaphore, #tpu.memory_space<semaphore_mem>> -> memref<!tpu.dma_semaphore, #tpu.memory_space<semaphore_mem>>
    %dma_wait3A_131 = arith.constant 0 : i32
    %dma_wait3A_132 = arith.constant 0 : i32
    %dma_wait3A_133 = tpu.memref_slice %arg8[%dma_wait3A_131, %dma_wait3A_132] : memref<10240x48xf32, #tpu.memory_space<vmem_shared>> -> memref<80x48xf32, #tpu.memory_space<vmem_shared>>
    %dma_wait3A_134 = arith.constant 0 : i32
    %dma_wait3A_135 = arith.constant 0 : i32
    %dma_wait3A_136 = tpu.memref_slice %arg7[%dma_wait3A_120, %dma_wait3A_134, %dma_wait3A_135] : memref<5x80x48xf32, #tpu.memory_space<vmem>> -> memref<1x80x48xf32, #tpu.memory_space<vmem>>
    %dma_wait3A_137 = tpu.memref_squeeze %dma_wait3A_136 : memref<1x80x48xf32, #tpu.memory_space<vmem>> -> memref<80x48xf32, #tpu.memory_space<vmem>>
    tpu.wait_dma2 semaphore(%dma_wait3A_130 : memref<!tpu.dma_semaphore, #tpu.memory_space<semaphore_mem>>) src(%dma_wait3A_137 : memref<80x48xf32, #tpu.memory_space<vmem>>) dst(%dma_wait3A_133 : memref<80x48xf32, #tpu.memory_space<vmem_shared>>)
    %dma_wait3A_138 = arith.constant 2 : i32
    %dma_wait3A_139 = arith.constant 2 : i32
    %dma_wait3A_140 = arith.constant 0 : i32
    %dma_wait3A_141 = arith.constant 0 : i32
    %dma_wait3A_142 = tpu.memref_slice %arg7[%dma_wait3A_138, %dma_wait3A_140, %dma_wait3A_141] : memref<5x80x48xf32, #tpu.memory_space<vmem>> -> memref<1x80x48xf32, #tpu.memory_space<vmem>>
    %dma_wait3A_143 = tpu.memref_squeeze %dma_wait3A_142 : memref<1x80x48xf32, #tpu.memory_space<vmem>> -> memref<80x48xf32, #tpu.memory_space<vmem>>
    %dma_wait3A_144 = arith.constant 0 : i32
    %dma_wait3A_145 = arith.constant 0 : i32
    %dma_wait3A_146 = tpu.memref_slice %arg8[%dma_wait3A_144, %dma_wait3A_145] : memref<10240x48xf32, #tpu.memory_space<vmem_shared>> -> memref<80x48xf32, #tpu.memory_space<vmem_shared>>
    %dma_wait3A_147 = tpu.memref_slice %arg10[%dma_wait3A_139] : memref<5x!tpu.dma_semaphore, #tpu.memory_space<semaphore_mem>> -> memref<1x!tpu.dma_semaphore, #tpu.memory_space<semaphore_mem>>
    %dma_wait3A_148 = tpu.memref_squeeze %dma_wait3A_147 : memref<1x!tpu.dma_semaphore, #tpu.memory_space<semaphore_mem>> -> memref<!tpu.dma_semaphore, #tpu.memory_space<semaphore_mem>>
    %dma_wait3A_149 = arith.constant 0 : i32
    %dma_wait3A_150 = arith.constant 0 : i32
    %dma_wait3A_151 = tpu.memref_slice %arg8[%dma_wait3A_149, %dma_wait3A_150] : memref<10240x48xf32, #tpu.memory_space<vmem_shared>> -> memref<80x48xf32, #tpu.memory_space<vmem_shared>>
    %dma_wait3A_152 = arith.constant 0 : i32
    %dma_wait3A_153 = arith.constant 0 : i32
    %dma_wait3A_154 = tpu.memref_slice %arg7[%dma_wait3A_138, %dma_wait3A_152, %dma_wait3A_153] : memref<5x80x48xf32, #tpu.memory_space<vmem>> -> memref<1x80x48xf32, #tpu.memory_space<vmem>>
    %dma_wait3A_155 = tpu.memref_squeeze %dma_wait3A_154 : memref<1x80x48xf32, #tpu.memory_space<vmem>> -> memref<80x48xf32, #tpu.memory_space<vmem>>
    tpu.wait_dma2 semaphore(%dma_wait3A_148 : memref<!tpu.dma_semaphore, #tpu.memory_space<semaphore_mem>>) src(%dma_wait3A_155 : memref<80x48xf32, #tpu.memory_space<vmem>>) dst(%dma_wait3A_151 : memref<80x48xf32, #tpu.memory_space<vmem_shared>>)
    %dma_wait3A_156 = arith.constant 3 : i32
    %dma_wait3A_157 = arith.constant 3 : i32
    %dma_wait3A_158 = arith.constant 0 : i32
    %dma_wait3A_159 = arith.constant 0 : i32
    %dma_wait3A_160 = tpu.memref_slice %arg7[%dma_wait3A_156, %dma_wait3A_158, %dma_wait3A_159] : memref<5x80x48xf32, #tpu.memory_space<vmem>> -> memref<1x80x48xf32, #tpu.memory_space<vmem>>
    %dma_wait3A_161 = tpu.memref_squeeze %dma_wait3A_160 : memref<1x80x48xf32, #tpu.memory_space<vmem>> -> memref<80x48xf32, #tpu.memory_space<vmem>>
    %dma_wait3A_162 = arith.constant 0 : i32
    %dma_wait3A_163 = arith.constant 0 : i32
    %dma_wait3A_164 = tpu.memref_slice %arg8[%dma_wait3A_162, %dma_wait3A_163] : memref<10240x48xf32, #tpu.memory_space<vmem_shared>> -> memref<80x48xf32, #tpu.memory_space<vmem_shared>>
    %dma_wait3A_165 = tpu.memref_slice %arg10[%dma_wait3A_157] : memref<5x!tpu.dma_semaphore, #tpu.memory_space<semaphore_mem>> -> memref<1x!tpu.dma_semaphore, #tpu.memory_space<semaphore_mem>>
    %dma_wait3A_166 = tpu.memref_squeeze %dma_wait3A_165 : memref<1x!tpu.dma_semaphore, #tpu.memory_space<semaphore_mem>> -> memref<!tpu.dma_semaphore, #tpu.memory_space<semaphore_mem>>
    %dma_wait3A_167 = arith.constant 0 : i32
    %dma_wait3A_168 = arith.constant 0 : i32
    %dma_wait3A_169 = tpu.memref_slice %arg8[%dma_wait3A_167, %dma_wait3A_168] : memref<10240x48xf32, #tpu.memory_space<vmem_shared>> -> memref<80x48xf32, #tpu.memory_space<vmem_shared>>
    %dma_wait3A_170 = arith.constant 0 : i32
    %dma_wait3A_171 = arith.constant 0 : i32
    %dma_wait3A_172 = tpu.memref_slice %arg7[%dma_wait3A_156, %dma_wait3A_170, %dma_wait3A_171] : memref<5x80x48xf32, #tpu.memory_space<vmem>> -> memref<1x80x48xf32, #tpu.memory_space<vmem>>
    %dma_wait3A_173 = tpu.memref_squeeze %dma_wait3A_172 : memref<1x80x48xf32, #tpu.memory_space<vmem>> -> memref<80x48xf32, #tpu.memory_space<vmem>>
    tpu.wait_dma2 semaphore(%dma_wait3A_166 : memref<!tpu.dma_semaphore, #tpu.memory_space<semaphore_mem>>) src(%dma_wait3A_173 : memref<80x48xf32, #tpu.memory_space<vmem>>) dst(%dma_wait3A_169 : memref<80x48xf32, #tpu.memory_space<vmem_shared>>)
    %dma_wait3A_174 = arith.constant 4 : i32
    %dma_wait3A_175 = arith.constant 4 : i32
    %dma_wait3A_176 = arith.constant 0 : i32
    %dma_wait3A_177 = arith.constant 0 : i32
    %dma_wait3A_178 = tpu.memref_slice %arg7[%dma_wait3A_174, %dma_wait3A_176, %dma_wait3A_177] : memref<5x80x48xf32, #tpu.memory_space<vmem>> -> memref<1x80x48xf32, #tpu.memory_space<vmem>>
    %dma_wait3A_179 = tpu.memref_squeeze %dma_wait3A_178 : memref<1x80x48xf32, #tpu.memory_space<vmem>> -> memref<80x48xf32, #tpu.memory_space<vmem>>
    %dma_wait3A_180 = arith.constant 0 : i32
    %dma_wait3A_181 = arith.constant 0 : i32
    %dma_wait3A_182 = tpu.memref_slice %arg8[%dma_wait3A_180, %dma_wait3A_181] : memref<10240x48xf32, #tpu.memory_space<vmem_shared>> -> memref<80x48xf32, #tpu.memory_space<vmem_shared>>
    %dma_wait3A_183 = tpu.memref_slice %arg10[%dma_wait3A_175] : memref<5x!tpu.dma_semaphore, #tpu.memory_space<semaphore_mem>> -> memref<1x!tpu.dma_semaphore, #tpu.memory_space<semaphore_mem>>
    %dma_wait3A_184 = tpu.memref_squeeze %dma_wait3A_183 : memref<1x!tpu.dma_semaphore, #tpu.memory_space<semaphore_mem>> -> memref<!tpu.dma_semaphore, #tpu.memory_space<semaphore_mem>>
    %dma_wait3A_185 = arith.constant 0 : i32
    %dma_wait3A_186 = arith.constant 0 : i32
    %dma_wait3A_187 = tpu.memref_slice %arg8[%dma_wait3A_185, %dma_wait3A_186] : memref<10240x48xf32, #tpu.memory_space<vmem_shared>> -> memref<80x48xf32, #tpu.memory_space<vmem_shared>>
    %dma_wait3A_188 = arith.constant 0 : i32
    %dma_wait3A_189 = arith.constant 0 : i32
    %dma_wait3A_190 = tpu.memref_slice %arg7[%dma_wait3A_174, %dma_wait3A_188, %dma_wait3A_189] : memref<5x80x48xf32, #tpu.memory_space<vmem>> -> memref<1x80x48xf32, #tpu.memory_space<vmem>>
    %dma_wait3A_191 = tpu.memref_squeeze %dma_wait3A_190 : memref<1x80x48xf32, #tpu.memory_space<vmem>> -> memref<80x48xf32, #tpu.memory_space<vmem>>
    tpu.wait_dma2 semaphore(%dma_wait3A_184 : memref<!tpu.dma_semaphore, #tpu.memory_space<semaphore_mem>>) src(%dma_wait3A_191 : memref<80x48xf32, #tpu.memory_space<vmem>>) dst(%dma_wait3A_187 : memref<80x48xf32, #tpu.memory_space<vmem_shared>>)
    %barrier3A_192 = arith.constant 0 : index
    tpu.barrier barrier_id(%barrier3A_192)
    %scan3A_193 = arith.constant 0 : i32
    %scan3A_194 = arith.constant 0 : i32
    %scan3A_195 = arith.constant 8 : i32
    %scan3A_196 = arith.addi %scan3A_194, %scan3A_195 : i32
    %scan3A_197 = arith.constant 1 : i32
    scf.for %scan3A_199 = %scan3A_194 to %scan3A_196 step %scan3A_197  : i32 {
      %mul3A_200 = arith.constant 640 : i32
      %mul3A_201 = arith.muli %arg1, %mul3A_200 : i32
      %mul3A_202 = arith.constant 80 : i32
      %mul3A_203 = arith.muli %scan3A_199, %mul3A_202 : i32
      %add3A_204 = arith.addi %mul3A_201, %mul3A_203 : i32
      %run_scoped3A_205 = arith.constant 0 : i32
      "tpu.region"() ({
        %run_scoped3A_212 = tpu.sem_alloc : memref<!tpu.dma_semaphore, #tpu.memory_space<semaphore_mem>>
        %dma_start3A_213 = arith.constant 0 : i32
        %dma_start3A_214 = arith.constant 0 : i32
        %dma_start3A_215 = tpu.memref_slice %arg7[%run_scoped3A_205, %dma_start3A_213, %dma_start3A_214] : memref<5x80x48xf32, #tpu.memory_space<vmem>> -> memref<1x80x48xf32, #tpu.memory_space<vmem>>
        %dma_start3A_216 = tpu.memref_squeeze %dma_start3A_215 : memref<1x80x48xf32, #tpu.memory_space<vmem>> -> memref<80x48xf32, #tpu.memory_space<vmem>>
        %dma_start3A_217 = arith.constant 0 : i32
        %dma_start3A_218 = tpu.memref_slice %arg8[%add3A_204, %dma_start3A_217] : memref<10240x48xf32, #tpu.memory_space<vmem_shared>> -> memref<80x48xf32, #tpu.memory_space<vmem_shared>>
        %dma_start3A_219 = arith.constant 0 : i32
        %dma_start3A_220 = arith.constant 0 : i32
        %dma_start3A_221 = tpu.memref_slice %arg7[%run_scoped3A_205, %dma_start3A_219, %dma_start3A_220] : memref<5x80x48xf32, #tpu.memory_space<vmem>> -> memref<1x80x48xf32, #tpu.memory_space<vmem>>
        %dma_start3A_222 = tpu.memref_squeeze %dma_start3A_221 : memref<1x80x48xf32, #tpu.memory_space<vmem>> -> memref<80x48xf32, #tpu.memory_space<vmem>>
        %dma_start3A_223 = arith.constant 0 : i32
        %dma_start3A_224 = tpu.memref_slice %arg8[%add3A_204, %dma_start3A_223] : memref<10240x48xf32, #tpu.memory_space<vmem_shared>> -> memref<80x48xf32, #tpu.memory_space<vmem_shared>>
        tpu.enqueue_dma source(%dma_start3A_224 : memref<80x48xf32, #tpu.memory_space<vmem_shared>>) target(%dma_start3A_222 : memref<80x48xf32, #tpu.memory_space<vmem>>) target_semaphore(%run_scoped3A_212 : memref<!tpu.dma_semaphore, #tpu.memory_space<semaphore_mem>>)
        %dma_wait3A_225 = arith.constant 0 : i32
        %dma_wait3A_226 = arith.constant 0 : i32
        %dma_wait3A_227 = tpu.memref_slice %arg7[%run_scoped3A_205, %dma_wait3A_225, %dma_wait3A_226] : memref<5x80x48xf32, #tpu.memory_space<vmem>> -> memref<1x80x48xf32, #tpu.memory_space<vmem>>
        %dma_wait3A_228 = tpu.memref_squeeze %dma_wait3A_227 : memref<1x80x48xf32, #tpu.memory_space<vmem>> -> memref<80x48xf32, #tpu.memory_space<vmem>>
        %dma_wait3A_229 = arith.constant 0 : i32
        %dma_wait3A_230 = tpu.memref_slice %arg8[%add3A_204, %dma_wait3A_229] : memref<10240x48xf32, #tpu.memory_space<vmem_shared>> -> memref<80x48xf32, #tpu.memory_space<vmem_shared>>
        %dma_wait3A_231 = arith.constant 0 : i32
        %dma_wait3A_232 = arith.constant 0 : i32
        %dma_wait3A_233 = tpu.memref_slice %arg7[%run_scoped3A_205, %dma_wait3A_231, %dma_wait3A_232] : memref<5x80x48xf32, #tpu.memory_space<vmem>> -> memref<1x80x48xf32, #tpu.memory_space<vmem>>
        %dma_wait3A_234 = tpu.memref_squeeze %dma_wait3A_233 : memref<1x80x48xf32, #tpu.memory_space<vmem>> -> memref<80x48xf32, #tpu.memory_space<vmem>>
        %dma_wait3A_235 = arith.constant 0 : i32
        %dma_wait3A_236 = tpu.memref_slice %arg8[%add3A_204, %dma_wait3A_235] : memref<10240x48xf32, #tpu.memory_space<vmem_shared>> -> memref<80x48xf32, #tpu.memory_space<vmem_shared>>
        tpu.wait_dma2 semaphore(%run_scoped3A_212 : memref<!tpu.dma_semaphore, #tpu.memory_space<semaphore_mem>>) src(%dma_wait3A_236 : memref<80x48xf32, #tpu.memory_space<vmem_shared>>) dst(%dma_wait3A_234 : memref<80x48xf32, #tpu.memory_space<vmem>>)
        tpu.yield
      }) : () -> ()
      %mul3A_206 = arith.constant 640 : i32
      %mul3A_207 = arith.muli %arg1, %mul3A_206 : i32
      %mul3A_208 = arith.constant 80 : i32
      %mul3A_209 = arith.muli %scan3A_199, %mul3A_208 : i32
      %add3A_210 = arith.addi %mul3A_207, %mul3A_209 : i32
      %run_scoped3A_211 = arith.constant 0 : i32
      "tpu.region"() ({
        %run_scoped3A_212 = tpu.sem_alloc : memref<!tpu.dma_semaphore, #tpu.memory_space<semaphore_mem>>
        %dma_start3A_213 = arith.constant 0 : i32
        %dma_start3A_214 = arith.constant 0 : i32
        %dma_start3A_215 = tpu.memref_slice %arg7[%run_scoped3A_211, %dma_start3A_213, %dma_start3A_214] : memref<5x80x48xf32, #tpu.memory_space<vmem>> -> memref<1x80x48xf32, #tpu.memory_space<vmem>>
        %dma_start3A_216 = tpu.memref_squeeze %dma_start3A_215 : memref<1x80x48xf32, #tpu.memory_space<vmem>> -> memref<80x48xf32, #tpu.memory_space<vmem>>
        %dma_start3A_217 = arith.constant 0 : i32
        %dma_start3A_218 = tpu.memref_slice %arg5[%arg0, %add3A_210, %dma_start3A_217] : memref<2x10240x48xf32, #tpu.memory_space<hbm>> -> memref<1x80x48xf32, #tpu.memory_space<hbm>>
        %dma_start3A_219 = tpu.memref_squeeze %dma_start3A_218 : memref<1x80x48xf32, #tpu.memory_space<hbm>> -> memref<80x48xf32, #tpu.memory_space<hbm>>
        %dma_start3A_220 = arith.constant 0 : i32
        %dma_start3A_221 = tpu.memref_slice %arg5[%arg0, %add3A_210, %dma_start3A_220] : memref<2x10240x48xf32, #tpu.memory_space<hbm>> -> memref<1x80x48xf32, #tpu.memory_space<hbm>>
        %dma_start3A_222 = tpu.memref_squeeze %dma_start3A_221 : memref<1x80x48xf32, #tpu.memory_space<hbm>> -> memref<80x48xf32, #tpu.memory_space<hbm>>
        %dma_start3A_223 = arith.constant 0 : i32
        %dma_start3A_224 = arith.constant 0 : i32
        %dma_start3A_225 = tpu.memref_slice %arg7[%run_scoped3A_211, %dma_start3A_223, %dma_start3A_224] : memref<5x80x48xf32, #tpu.memory_space<vmem>> -> memref<1x80x48xf32, #tpu.memory_space<vmem>>
        %dma_start3A_226 = tpu.memref_squeeze %dma_start3A_225 : memref<1x80x48xf32, #tpu.memory_space<vmem>> -> memref<80x48xf32, #tpu.memory_space<vmem>>
        tpu.enqueue_dma source(%dma_start3A_226 : memref<80x48xf32, #tpu.memory_space<vmem>>) target(%dma_start3A_222 : memref<80x48xf32, #tpu.memory_space<hbm>>) target_semaphore(%run_scoped3A_212 : memref<!tpu.dma_semaphore, #tpu.memory_space<semaphore_mem>>)
        %dma_wait3A_227 = arith.constant 0 : i32
        %dma_wait3A_228 = arith.constant 0 : i32
        %dma_wait3A_229 = tpu.memref_slice %arg7[%run_scoped3A_211, %dma_wait3A_227, %dma_wait3A_228] : memref<5x80x48xf32, #tpu.memory_space<vmem>> -> memref<1x80x48xf32, #tpu.memory_space<vmem>>
        %dma_wait3A_230 = tpu.memref_squeeze %dma_wait3A_229 : memref<1x80x48xf32, #tpu.memory_space<vmem>> -> memref<80x48xf32, #tpu.memory_space<vmem>>
        %dma_wait3A_231 = arith.constant 0 : i32
        %dma_wait3A_232 = tpu.memref_slice %arg5[%arg0, %add3A_210, %dma_wait3A_231] : memref<2x10240x48xf32, #tpu.memory_space<hbm>> -> memref<1x80x48xf32, #tpu.memory_space<hbm>>
        %dma_wait3A_233 = tpu.memref_squeeze %dma_wait3A_232 : memref<1x80x48xf32, #tpu.memory_space<hbm>> -> memref<80x48xf32, #tpu.memory_space<hbm>>
        %dma_wait3A_234 = arith.constant 0 : i32
        %dma_wait3A_235 = tpu.memref_slice %arg5[%arg0, %add3A_210, %dma_wait3A_234] : memref<2x10240x48xf32, #tpu.memory_space<hbm>> -> memref<1x80x48xf32, #tpu.memory_space<hbm>>
        %dma_wait3A_236 = tpu.memref_squeeze %dma_wait3A_235 : memref<1x80x48xf32, #tpu.memory_space<hbm>> -> memref<80x48xf32, #tpu.memory_space<hbm>>
        %dma_wait3A_237 = arith.constant 0 : i32
        %dma_wait3A_238 = arith.constant 0 : i32
        %dma_wait3A_239 = tpu.memref_slice %arg7[%run_scoped3A_211, %dma_wait3A_237, %dma_wait3A_238] : memref<5x80x48xf32, #tpu.memory_space<vmem>> -> memref<1x80x48xf32, #tpu.memory_space<vmem>>
        %dma_wait3A_240 = tpu.memref_squeeze %dma_wait3A_239 : memref<1x80x48xf32, #tpu.memory_space<vmem>> -> memref<80x48xf32, #tpu.memory_space<vmem>>
        tpu.wait_dma2 semaphore(%run_scoped3A_212 : memref<!tpu.dma_semaphore, #tpu.memory_space<semaphore_mem>>) src(%dma_wait3A_240 : memref<80x48xf32, #tpu.memory_space<vmem>>) dst(%dma_wait3A_236 : memref<80x48xf32, #tpu.memory_space<hbm>>)
        tpu.yield
      }) : () -> ()
    }
    %scan3A_198 = arith.constant 8 : i32
    return
  }
}

module attributes {stable_mosaic.version = 14 : i64} {
  func.func @_edge_body(%arg0: i32, %arg1: memref<4x2560xf32, #tpu.memory_space<vmem>>, %arg2: memref<4x32xf32, #tpu.memory_space<vmem>>, %arg3: memref<1x32xf32, #tpu.memory_space<vmem>>, %arg4: memref<32x32xf32, #tpu.memory_space<vmem>>, %arg5: memref<1x32xf32, #tpu.memory_space<vmem>>, %arg6: memref<2560x48xf32, #tpu.memory_space<vmem>>) attributes {dimension_semantics = [#tpu.dimension_semantics<arbitrary>], iteration_bounds = array<i64: 125>, scalar_prefetch = 0 : i64, scratch_operands = 0 : i64, tpu.core_type = #tpu.core_type<tc>, window_params = [{transform_indices = @transform_0, window_bounds = array<i64: 4, 2560>}, {pipeline_mode = #tpu.pipeline_mode<synchronous>, transform_indices = @transform_1, window_bounds = array<i64: 4, 32>}, {pipeline_mode = #tpu.pipeline_mode<synchronous>, transform_indices = @transform_2, window_bounds = array<i64: 1, 32>}, {pipeline_mode = #tpu.pipeline_mode<synchronous>, transform_indices = @transform_3, window_bounds = array<i64: 32, 32>}, {pipeline_mode = #tpu.pipeline_mode<synchronous>, transform_indices = @transform_4, window_bounds = array<i64: 1, 32>}, {transform_indices = @transform_5, window_bounds = array<i64: 2560, 48>}]} {
    %get3A = arith.constant 0 : index
    %get3A_0 = arith.constant 0 : index
    %get3A_1 = vector.load %arg1[%get3A, %get3A_0] : memref<4x2560xf32, #tpu.memory_space<vmem>>, vector<4x2560xf32>
    %get3A_2 = arith.constant 0 : index
    %get3A_3 = arith.constant 0 : index
    %get3A_4 = vector.load %arg2[%get3A_2, %get3A_3] : memref<4x32xf32, #tpu.memory_space<vmem>>, vector<4x32xf32>
    %dot_general3A = arith.constant dense<0.000000e+00> : vector<2560x32xf32>
    %dot_general3A_5 = tpu.matmul %get3A_1, %get3A_4, %dot_general3A {dimension_numbers = #tpu.dot_dimension_numbers<[0], [0], [1], [1], [0, 1, 1, 1], [], []>, transpose_lhs_hint = false} : vector<4x2560xf32>, vector<4x32xf32>, vector<2560x32xf32> -> vector<2560x32xf32>
    %get3A_6 = arith.constant 0 : index
    %get3A_7 = arith.constant 0 : index
    %get3A_8 = vector.load %arg3[%get3A_6, %get3A_7] : memref<1x32xf32, #tpu.memory_space<vmem>>, vector<1x32xf32>
    %add3A = vector.broadcast %get3A_8 : vector<1x32xf32> to vector<2560x32xf32>
    %add3A_9 = arith.addf %dot_general3A_5, %add3A : vector<2560x32xf32>
    %gt3A = arith.constant 0.000000e+00 : f32
    %gt3A_10 = vector.broadcast %gt3A : f32 to vector<2560x32xf32>
    %gt3A_11 = arith.cmpf ogt, %add3A_9, %gt3A_10 : vector<2560x32xf32>
    %mul3A = arith.constant 0.00999999977 : f32
    %mul3A_12 = vector.broadcast %mul3A : f32 to vector<2560x32xf32>
    %mul3A_13 = arith.mulf %mul3A_12, %add3A_9 : vector<2560x32xf32>
    %select_n3A = arith.select %gt3A_11, %add3A_9, %mul3A_13 : vector<2560x32xi1>, vector<2560x32xf32>
    %get3A_14 = arith.constant 0 : index
    %get3A_15 = arith.constant 0 : index
    %get3A_16 = vector.load %arg4[%get3A_14, %get3A_15] : memref<32x32xf32, #tpu.memory_space<vmem>>, vector<32x32xf32>
    %dot_general3A_17 = arith.constant dense<0.000000e+00> : vector<2560x32xf32>
    %dot_general3A_18 = tpu.matmul %select_n3A, %get3A_16, %dot_general3A_17 {dimension_numbers = #tpu.dot_dimension_numbers<[1], [0], [0], [1], [0, 0, 1, 1], [], []>, transpose_lhs_hint = false} : vector<2560x32xf32>, vector<32x32xf32>, vector<2560x32xf32> -> vector<2560x32xf32>
    %get3A_19 = arith.constant 0 : index
    %get3A_20 = arith.constant 0 : index
    %get3A_21 = vector.load %arg5[%get3A_19, %get3A_20] : memref<1x32xf32, #tpu.memory_space<vmem>>, vector<1x32xf32>
    %add3A_22 = vector.broadcast %get3A_21 : vector<1x32xf32> to vector<2560x32xf32>
    %add3A_23 = arith.addf %dot_general3A_18, %add3A_22 : vector<2560x32xf32>
    %gt3A_24 = arith.constant 0.000000e+00 : f32
    %gt3A_25 = vector.broadcast %gt3A_24 : f32 to vector<2560x32xf32>
    %gt3A_26 = arith.cmpf ogt, %add3A_23, %gt3A_25 : vector<2560x32xf32>
    %mul3A_27 = arith.constant 0.00999999977 : f32
    %mul3A_28 = vector.broadcast %mul3A_27 : f32 to vector<2560x32xf32>
    %mul3A_29 = arith.mulf %mul3A_28, %add3A_23 : vector<2560x32xf32>
    %select_n3A_30 = arith.select %gt3A_26, %add3A_23, %mul3A_29 : vector<2560x32xi1>, vector<2560x32xf32>
    %broadcast_in_dim3A = arith.constant 1.000000e+00 : f32
    %broadcast_in_dim3A_31 = vector.broadcast %broadcast_in_dim3A : f32 to vector<2560x1xf32>
    %broadcast_in_dim3A_32 = arith.constant 0.000000e+00 : f32
    %broadcast_in_dim3A_33 = vector.broadcast %broadcast_in_dim3A_32 : f32 to vector<2560x15xf32>
    %concatenate3A = tpu.concatenate %select_n3A_30, %broadcast_in_dim3A_31, %broadcast_in_dim3A_33 in 1 : vector<2560x32xf32>, vector<2560x1xf32>, vector<2560x15xf32> -> vector<2560x48xf32>
    %swap3A = arith.constant 0 : index
    %swap3A_34 = arith.constant 0 : index
    %swap3A_35 = vector.load %arg6[%swap3A, %swap3A_34] : memref<2560x48xf32, #tpu.memory_space<vmem>>, vector<2560x48xf32>
    tpu.vector_store %arg6[%swap3A, %swap3A_34], %concatenate3A {strides = array<i32>} : memref<2560x48xf32, #tpu.memory_space<vmem>>, vector<2560x48xf32>,
    return
  }
  func.func @transform_0(%arg0: i32) -> (i32, i32) {
    %c0_i32 = arith.constant 0 : i32
    %c0_i32_0 = arith.constant 0 : i32
    return %c0_i32, %arg0 : i32, i32
  }
  func.func @transform_1(%arg0: i32) -> (i32, i32) {
    %c0_i32 = arith.constant 0 : i32
    %c0_i32_0 = arith.constant 0 : i32
    %c0_i32_1 = arith.constant 0 : i32
    return %c0_i32, %c0_i32_0 : i32, i32
  }
  func.func @transform_2(%arg0: i32) -> (i32, i32) {
    %c0_i32 = arith.constant 0 : i32
    %c0_i32_0 = arith.constant 0 : i32
    %c0_i32_1 = arith.constant 0 : i32
    return %c0_i32, %c0_i32_0 : i32, i32
  }
  func.func @transform_3(%arg0: i32) -> (i32, i32) {
    %c0_i32 = arith.constant 0 : i32
    %c0_i32_0 = arith.constant 0 : i32
    %c0_i32_1 = arith.constant 0 : i32
    return %c0_i32, %c0_i32_0 : i32, i32
  }
  func.func @transform_4(%arg0: i32) -> (i32, i32) {
    %c0_i32 = arith.constant 0 : i32
    %c0_i32_0 = arith.constant 0 : i32
    %c0_i32_1 = arith.constant 0 : i32
    return %c0_i32, %c0_i32_0 : i32, i32
  }
  func.func @transform_5(%arg0: i32) -> (i32, i32) {
    %c0_i32 = arith.constant 0 : i32
    %c0_i32_0 = arith.constant 0 : i32
    return %arg0, %c0_i32 : i32, i32
  }
}

module attributes {stable_mosaic.version = 14 : i64} {
  func.func @_update_body(%arg0: i32, %arg1: memref<2000x128xf32, #tpu.memory_space<vmem>>, %arg2: memref<2x2000x48xf32, #tpu.memory_space<vmem>>, %arg3: memref<48x128xf32, #tpu.memory_space<vmem>>, %arg4: memref<1x256xf32, #tpu.memory_space<vmem>>, %arg5: memref<1x256xf32, #tpu.memory_space<vmem>>, %arg6: memref<256x214xf32, #tpu.memory_space<vmem>>, %arg7: memref<1x214xf32, #tpu.memory_space<vmem>>, %arg8: memref<214x172xf32, #tpu.memory_space<vmem>>, %arg9: memref<1x172xf32, #tpu.memory_space<vmem>>, %arg10: memref<172x128xf32, #tpu.memory_space<vmem>>, %arg11: memref<1x128xf32, #tpu.memory_space<vmem>>, %arg12: memref<2000x128xf32, #tpu.memory_space<vmem>>) attributes {dimension_semantics = [#tpu.dimension_semantics<arbitrary>], iteration_bounds = array<i64: 5>, scalar_prefetch = 0 : i64, scratch_operands = 0 : i64, tpu.core_type = #tpu.core_type<tc>, window_params = [{transform_indices = @transform_0, window_bounds = array<i64: 2000, 128>}, {transform_indices = @transform_1, window_bounds = array<i64: 2, 2000, 48>}, {pipeline_mode = #tpu.pipeline_mode<synchronous>, transform_indices = @transform_2, window_bounds = array<i64: 48, 128>}, {pipeline_mode = #tpu.pipeline_mode<synchronous>, transform_indices = @transform_3, window_bounds = array<i64: 1, 256>}, {pipeline_mode = #tpu.pipeline_mode<synchronous>, transform_indices = @transform_4, window_bounds = array<i64: 1, 256>}, {pipeline_mode = #tpu.pipeline_mode<synchronous>, transform_indices = @transform_5, window_bounds = array<i64: 256, 214>}, {pipeline_mode = #tpu.pipeline_mode<synchronous>, transform_indices = @transform_6, window_bounds = array<i64: 1, 214>}, {pipeline_mode = #tpu.pipeline_mode<synchronous>, transform_indices = @transform_7, window_bounds = array<i64: 214, 172>}, {pipeline_mode = #tpu.pipeline_mode<synchronous>, transform_indices = @transform_8, window_bounds = array<i64: 1, 172>}, {pipeline_mode = #tpu.pipeline_mode<synchronous>, transform_indices = @transform_9, window_bounds = array<i64: 172, 128>}, {pipeline_mode = #tpu.pipeline_mode<synchronous>, transform_indices = @transform_10, window_bounds = array<i64: 1, 128>}, {transform_indices = @transform_11, window_bounds = array<i64: 2000, 128>}]} {
    %get3A = arith.constant 0 : index
    %get3A_0 = arith.constant 0 : index
    %get3A_1 = arith.constant 0 : index
    %get3A_2 = vector.load %arg2[%get3A, %get3A_0, %get3A_1] : memref<2x2000x48xf32, #tpu.memory_space<vmem>>, vector<1x2000x48xf32>
    %get3A_3 = vector.shape_cast %get3A_2 : vector<1x2000x48xf32> to vector<2000x48xf32>
    %get3A_4 = arith.constant 1 : index
    %get3A_5 = arith.constant 0 : index
    %get3A_6 = arith.constant 0 : index
    %get3A_7 = vector.load %arg2[%get3A_4, %get3A_5, %get3A_6] : memref<2x2000x48xf32, #tpu.memory_space<vmem>>, vector<1x2000x48xf32>
    %get3A_8 = vector.shape_cast %get3A_7 : vector<1x2000x48xf32> to vector<2000x48xf32>
    %add3A = arith.addf %get3A_3, %get3A_8 : vector<2000x48xf32>
    %get3A_9 = arith.constant 0 : index
    %get3A_10 = arith.constant 0 : index
    %get3A_11 = vector.load %arg3[%get3A_9, %get3A_10] : memref<48x128xf32, #tpu.memory_space<vmem>>, vector<48x128xf32>
    %dot_general3A = arith.constant dense<0.000000e+00> : vector<2000x128xf32>
    %dot_general3A_12 = tpu.matmul %add3A, %get3A_11, %dot_general3A {dimension_numbers = #tpu.dot_dimension_numbers<[1], [0], [0], [1], [0, 0, 1, 1], [], []>, transpose_lhs_hint = false} : vector<2000x48xf32>, vector<48x128xf32>, vector<2000x128xf32> -> vector<2000x128xf32>
    %get3A_13 = arith.constant 0 : index
    %get3A_14 = arith.constant 0 : index
    %get3A_15 = vector.load %arg1[%get3A_13, %get3A_14] : memref<2000x128xf32, #tpu.memory_space<vmem>>, vector<2000x128xf32>
    %concatenate3A = tpu.concatenate %get3A_15, %dot_general3A_12 in 1 : vector<2000x128xf32>, vector<2000x128xf32> -> vector<2000x256xf32>
    %reduce_sum3A = arith.constant dense<0.000000e+00> : vector<2000xf32>
    %reduce_sum3A_16 = vector.multi_reduction <add>, %concatenate3A, %reduce_sum3A [1] : vector<2000x256xf32> to vector<2000xf32>
    %broadcast_in_dim3A = vector.shape_cast %reduce_sum3A_16 : vector<2000xf32> to vector<2000x1xf32>
    %div3A = arith.constant 2.560000e+02 : f32
    %div3A_17 = vector.broadcast %div3A : f32 to vector<2000x1xf32>
    %div3A_18 = arith.divf %broadcast_in_dim3A, %div3A_17 : vector<2000x1xf32>
    %sub3A = vector.broadcast %div3A_18 : vector<2000x1xf32> to vector<2000x256xf32>
    %sub3A_19 = arith.subf %concatenate3A, %sub3A : vector<2000x256xf32>
    %integer_pow3A = arith.mulf %sub3A_19, %sub3A_19 : vector<2000x256xf32>
    %reduce_sum3A_20 = arith.constant dense<0.000000e+00> : vector<2000xf32>
    %reduce_sum3A_21 = vector.multi_reduction <add>, %integer_pow3A, %reduce_sum3A_20 [1] : vector<2000x256xf32> to vector<2000xf32>
    %broadcast_in_dim3A_22 = vector.shape_cast %reduce_sum3A_21 : vector<2000xf32> to vector<2000x1xf32>
    %div3A_23 = arith.constant 2.560000e+02 : f32
    %div3A_24 = vector.broadcast %div3A_23 : f32 to vector<2000x1xf32>
    %div3A_25 = arith.divf %broadcast_in_dim3A_22, %div3A_24 : vector<2000x1xf32>
    %sub3A_26 = vector.broadcast %div3A_18 : vector<2000x1xf32> to vector<2000x256xf32>
    %sub3A_27 = arith.subf %concatenate3A, %sub3A_26 : vector<2000x256xf32>
    %add3A_28 = arith.constant 9.99999974E-6 : f32
    %add3A_29 = vector.broadcast %add3A_28 : f32 to vector<2000x1xf32>
    %add3A_30 = arith.addf %div3A_25, %add3A_29 : vector<2000x1xf32>
    %rsqrt3A = math.rsqrt %add3A_30 : vector<2000x1xf32>
    %mul3A = vector.broadcast %rsqrt3A : vector<2000x1xf32> to vector<2000x256xf32>
    %mul3A_31 = arith.mulf %sub3A_27, %mul3A : vector<2000x256xf32>
    %get3A_32 = arith.constant 0 : index
    %get3A_33 = arith.constant 0 : index
    %get3A_34 = vector.load %arg4[%get3A_32, %get3A_33] : memref<1x256xf32, #tpu.memory_space<vmem>>, vector<1x256xf32>
    %mul3A_35 = vector.broadcast %get3A_34 : vector<1x256xf32> to vector<2000x256xf32>
    %mul3A_36 = arith.mulf %mul3A_31, %mul3A_35 : vector<2000x256xf32>
    %get3A_37 = arith.constant 0 : index
    %get3A_38 = arith.constant 0 : index
    %get3A_39 = vector.load %arg5[%get3A_37, %get3A_38] : memref<1x256xf32, #tpu.memory_space<vmem>>, vector<1x256xf32>
    %add3A_40 = vector.broadcast %get3A_39 : vector<1x256xf32> to vector<2000x256xf32>
    %add3A_41 = arith.addf %mul3A_36, %add3A_40 : vector<2000x256xf32>
    %get3A_42 = arith.constant 0 : index
    %get3A_43 = arith.constant 0 : index
    %get3A_44 = vector.load %arg6[%get3A_42, %get3A_43] : memref<256x214xf32, #tpu.memory_space<vmem>>, vector<256x214xf32>
    %dot_general3A_45 = arith.constant dense<0.000000e+00> : vector<2000x214xf32>
    %dot_general3A_46 = tpu.matmul %add3A_41, %get3A_44, %dot_general3A_45 {dimension_numbers = #tpu.dot_dimension_numbers<[1], [0], [0], [1], [0, 0, 1, 1], [], []>, transpose_lhs_hint = false} : vector<2000x256xf32>, vector<256x214xf32>, vector<2000x214xf32> -> vector<2000x214xf32>
    %get3A_47 = arith.constant 0 : index
    %get3A_48 = arith.constant 0 : index
    %get3A_49 = vector.load %arg7[%get3A_47, %get3A_48] : memref<1x214xf32, #tpu.memory_space<vmem>>, vector<1x214xf32>
    %add3A_50 = vector.broadcast %get3A_49 : vector<1x214xf32> to vector<2000x214xf32>
    %add3A_51 = arith.addf %dot_general3A_46, %add3A_50 : vector<2000x214xf32>
    %gt3A = arith.constant 0.000000e+00 : f32
    %gt3A_52 = vector.broadcast %gt3A : f32 to vector<2000x214xf32>
    %gt3A_53 = arith.cmpf ogt, %add3A_51, %gt3A_52 : vector<2000x214xf32>
    %mul3A_54 = arith.constant 0.00999999977 : f32
    %mul3A_55 = vector.broadcast %mul3A_54 : f32 to vector<2000x214xf32>
    %mul3A_56 = arith.mulf %mul3A_55, %add3A_51 : vector<2000x214xf32>
    %select_n3A = arith.select %gt3A_53, %add3A_51, %mul3A_56 : vector<2000x214xi1>, vector<2000x214xf32>
    %get3A_57 = arith.constant 0 : index
    %get3A_58 = arith.constant 0 : index
    %get3A_59 = vector.load %arg8[%get3A_57, %get3A_58] : memref<214x172xf32, #tpu.memory_space<vmem>>, vector<214x172xf32>
    %dot_general3A_60 = arith.constant dense<0.000000e+00> : vector<2000x172xf32>
    %dot_general3A_61 = tpu.matmul %select_n3A, %get3A_59, %dot_general3A_60 {dimension_numbers = #tpu.dot_dimension_numbers<[1], [0], [0], [1], [0, 0, 1, 1], [], []>, transpose_lhs_hint = false} : vector<2000x214xf32>, vector<214x172xf32>, vector<2000x172xf32> -> vector<2000x172xf32>
    %get3A_62 = arith.constant 0 : index
    %get3A_63 = arith.constant 0 : index
    %get3A_64 = vector.load %arg9[%get3A_62, %get3A_63] : memref<1x172xf32, #tpu.memory_space<vmem>>, vector<1x172xf32>
    %add3A_65 = vector.broadcast %get3A_64 : vector<1x172xf32> to vector<2000x172xf32>
    %add3A_66 = arith.addf %dot_general3A_61, %add3A_65 : vector<2000x172xf32>
    %gt3A_67 = arith.constant 0.000000e+00 : f32
    %gt3A_68 = vector.broadcast %gt3A_67 : f32 to vector<2000x172xf32>
    %gt3A_69 = arith.cmpf ogt, %add3A_66, %gt3A_68 : vector<2000x172xf32>
    %mul3A_70 = arith.constant 0.00999999977 : f32
    %mul3A_71 = vector.broadcast %mul3A_70 : f32 to vector<2000x172xf32>
    %mul3A_72 = arith.mulf %mul3A_71, %add3A_66 : vector<2000x172xf32>
    %select_n3A_73 = arith.select %gt3A_69, %add3A_66, %mul3A_72 : vector<2000x172xi1>, vector<2000x172xf32>
    %get3A_74 = arith.constant 0 : index
    %get3A_75 = arith.constant 0 : index
    %get3A_76 = vector.load %arg10[%get3A_74, %get3A_75] : memref<172x128xf32, #tpu.memory_space<vmem>>, vector<172x128xf32>
    %dot_general3A_77 = arith.constant dense<0.000000e+00> : vector<2000x128xf32>
    %dot_general3A_78 = tpu.matmul %select_n3A_73, %get3A_76, %dot_general3A_77 {dimension_numbers = #tpu.dot_dimension_numbers<[1], [0], [0], [1], [0, 0, 1, 1], [], []>, transpose_lhs_hint = false} : vector<2000x172xf32>, vector<172x128xf32>, vector<2000x128xf32> -> vector<2000x128xf32>
    %get3A_79 = arith.constant 0 : index
    %get3A_80 = arith.constant 0 : index
    %get3A_81 = vector.load %arg11[%get3A_79, %get3A_80] : memref<1x128xf32, #tpu.memory_space<vmem>>, vector<1x128xf32>
    %add3A_82 = vector.broadcast %get3A_81 : vector<1x128xf32> to vector<2000x128xf32>
    %add3A_83 = arith.addf %dot_general3A_78, %add3A_82 : vector<2000x128xf32>
    %swap3A = arith.constant 0 : index
    %swap3A_84 = arith.constant 0 : index
    %swap3A_85 = vector.load %arg12[%swap3A, %swap3A_84] : memref<2000x128xf32, #tpu.memory_space<vmem>>, vector<2000x128xf32>
    tpu.vector_store %arg12[%swap3A, %swap3A_84], %add3A_83 {strides = array<i32>} : memref<2000x128xf32, #tpu.memory_space<vmem>>, vector<2000x128xf32>,
    return
  }
  func.func @transform_0(%arg0: i32) -> (i32, i32) {
    %c0_i32 = arith.constant 0 : i32
    %c0_i32_0 = arith.constant 0 : i32
    return %arg0, %c0_i32 : i32, i32
  }
  func.func @transform_1(%arg0: i32) -> (i32, i32, i32) {
    %c0_i32 = arith.constant 0 : i32
    %c0_i32_0 = arith.constant 0 : i32
    %c0_i32_1 = arith.constant 0 : i32
    return %c0_i32, %arg0, %c0_i32_0 : i32, i32, i32
  }
  func.func @transform_2(%arg0: i32) -> (i32, i32) {
    %c0_i32 = arith.constant 0 : i32
    %c0_i32_0 = arith.constant 0 : i32
    %c0_i32_1 = arith.constant 0 : i32
    return %c0_i32, %c0_i32_0 : i32, i32
  }
  func.func @transform_3(%arg0: i32) -> (i32, i32) {
    %c0_i32 = arith.constant 0 : i32
    %c0_i32_0 = arith.constant 0 : i32
    %c0_i32_1 = arith.constant 0 : i32
    return %c0_i32, %c0_i32_0 : i32, i32
  }
  func.func @transform_4(%arg0: i32) -> (i32, i32) {
    %c0_i32 = arith.constant 0 : i32
    %c0_i32_0 = arith.constant 0 : i32
    %c0_i32_1 = arith.constant 0 : i32
    return %c0_i32, %c0_i32_0 : i32, i32
  }
  func.func @transform_5(%arg0: i32) -> (i32, i32) {
    %c0_i32 = arith.constant 0 : i32
    %c0_i32_0 = arith.constant 0 : i32
    %c0_i32_1 = arith.constant 0 : i32
    return %c0_i32, %c0_i32_0 : i32, i32
  }
  func.func @transform_6(%arg0: i32) -> (i32, i32) {
    %c0_i32 = arith.constant 0 : i32
    %c0_i32_0 = arith.constant 0 : i32
    %c0_i32_1 = arith.constant 0 : i32
    return %c0_i32, %c0_i32_0 : i32, i32
  }
  func.func @transform_7(%arg0: i32) -> (i32, i32) {
    %c0_i32 = arith.constant 0 : i32
    %c0_i32_0 = arith.constant 0 : i32
    %c0_i32_1 = arith.constant 0 : i32
    return %c0_i32, %c0_i32_0 : i32, i32
  }
  func.func @transform_8(%arg0: i32) -> (i32, i32) {
    %c0_i32 = arith.constant 0 : i32
    %c0_i32_0 = arith.constant 0 : i32
    %c0_i32_1 = arith.constant 0 : i32
    return %c0_i32, %c0_i32_0 : i32, i32
  }
  func.func @transform_9(%arg0: i32) -> (i32, i32) {
    %c0_i32 = arith.constant 0 : i32
    %c0_i32_0 = arith.constant 0 : i32
    %c0_i32_1 = arith.constant 0 : i32
    return %c0_i32, %c0_i32_0 : i32, i32
  }
  func.func @transform_10(%arg0: i32) -> (i32, i32) {
    %c0_i32 = arith.constant 0 : i32
    %c0_i32_0 = arith.constant 0 : i32
    %c0_i32_1 = arith.constant 0 : i32
    return %c0_i32, %c0_i32_0 : i32, i32
  }
  func.func @transform_11(%arg0: i32) -> (i32, i32) {
    %c0_i32 = arith.constant 0 : i32
    %c0_i32_0 = arith.constant 0 : i32
    return %arg0, %c0_i32 : i32, i32
  }
}

</mosaic_0001>

<sc_bundles>
// kernel: kernel.5.cloned.1.call-start
scs
__scs_entry_jumppad:
0x0: {  	(pc) =	sbr.rel $0x88, $3  }
0x1: {  	(tag) =	ssettag $0x0;
	lr =	simm.s32 $0x1  }
0x2: {  	[smem:$0x3F90] =	sst lr;
	_ =	strace $0xD0000000  }
0x3: {  	_ = 	snop  }
0x4: {  	_ = 	snop  }
0x5: {  	_ = 	snop  }
0x6: {  	_ = 	snop  }
0x7: {  	_ = 	snop  }
__scs_overlays_trampoline_lowered:
0x8: {  	[smem:$0x3F9F] =	sst s0  }
0x9: {  	[smem:$0x3FA0] =	sst s1  }
0xa: {  	[smem:$0x3FA1] =	sst s2  }
0xb: {  	[smem:$0x3FA2] =	sst s3  }
0xc: {  	[smem:$0x3FA3] =	sst s4  }
0xd: {  	[smem:$0x3FA4] =	sst s5  }
0xe: {  	[smem:$0x3FA5] =	sst s6  }
0xf: {  	[smem:$0x3FA6] =	sst s7  }
0x10: {  	[smem:$0x3FA7] =	sst s8  }
0x11: {  	[smem:$0x3FA8] =	sst s9;
	s0 =	simm.s32 @!p0 $0x0  }
0x12: {  	s1 =	sld [smem:$0x3F8E];
	s0 =	simm.s32 @p0 $0x1  }
0x13: {  	[smem:$0x3FA9] =	sst s0;
	s0 =	simm.s32 @!p1 $0x0  }
0x14: {  	s2 =	sld [smem:$0x3F8D];
	s0 =	simm.s32 @p1 $0x1  }
0x15: {  	[smem:$0x3FAA] =	sst s0;
	s0 =	simm.s32 @!p2 $0x0  }
0x16: {  	s3 =	sld [smem:$0x3FDB];
	s0 =	simm.s32 @p2 $0x1  }
0x17: {  	s4 =	simm.s32 $0x1BF5;
	[smem:$0x3FAC] =	sst s0  }
0x18: {  	s0 =	sld [smem:$0x3F8F];
	_ =	swait.ge [sflag:s4], $0x0  }
0x19: {  	s7 =	sld [smem:$0x3F90]  }
0x1a: {  	s8 =	sadd.s32 $0xFFFFE003, lr  }
0x1b: {  	s9 =	sadd.s32 $0xFFFFFEF7, lr;
	s5 =	simm.s32 $0xFFFFFFFF;
	p2 =	slt.u32 s8, $0xFFFFF086  }
0x1c: {  	p1 =	slt.u32 s9, $0xF7A;
	s5 =	simm.s32 @!p2 $0x0  }
0x1d: {  	s5 =	simm.s32 @p1 $0x1;
	p0 =	seq.s32 s7, s2  }
0x1e: {  	s7 =	smul.u32 @!p0 $0xF7A, s2;
	p2 =	seq.s32 @!p0 s5, $0x0  }
0x1f: {  	s9 =	smul.u32 $0xF7A, s1;
	s8 =	simm.s32 @!p0 $0x1BF5;
	p2 =	por !p2, p0  }
0x20: {  	[sflag:s8] =	ssyncset.s32 @!p0 $0xFFFFF086;
	s6 =	sadd.s32 @!p0 s3, s7;
	s7 =	simm.s32 @!p0 $0x108  }
0x21: {  	s3 =	sadd.s32 s3, s9;
	s6 =	sadd.s32 @!p0 $0x88, s6;
	s7 =	simm.s32 @p2 $0x1082  }
0x22: {  	[simem:s7], [sflag:s8] =	dma.local @!p0 [hbm:s6], $0xF7A  }
0x23: {  	s9 =	sor.u32 $0xD0000000, s2;
	s6 =	simm.s32 $0x108;
	_ =	swait.ge @!p0 [sflag:s8], $0x0  }
0x24: {  	s3 =	sadd.s32 $0x88, s3;
	s6 =	simm.s32 @!p1 $0x1082;
	[sflag:s4] =	ssyncset.s32 $0xFFFFF086  }
0x25: {  	[simem:s6], [sflag:s4] =	dma.local [hbm:s3], $0xF7A  }
0x26: {  	[smem:$0x3F90] =	sst s1;
	(tag) =	ssettag s2;
	_ =	strace s9  }
0x27: {  	s1 =	sld [smem:$0x3FA0]  }
0x28: {  	s2 =	sld [smem:$0x3FA1]  }
0x29: {  	s4 =	sld [smem:$0x3FA3]  }
0x2a: {  	p0 =	seq.s32 s5, $0x0;
	s5 =	sld [smem:$0x3FA4]  }
0x2b: {  	s6 =	sld [smem:$0x3FA5]  }
0x2c: {  	s7 =	sld [smem:$0x3FA6]  }
0x2d: {  	s3 =	simm.s32 $0x108;
	s8 =	sld [smem:$0x3FA7]  }
0x2e: {  	s3 =	simm.s32 @!p0 $0x1082;
	s9 =	sld [smem:$0x3FA8]  }
0x2f: {  	lr =	sadd.s32 s0, s3;
	s0 =	sld [smem:$0x3F9F]  }
0x30: {  	s3 =	sld [smem:$0x3FA2]  }
0x31: {  	[smem:$0x3FAB] =	sst s10  }
0x32: {  	s10 =	sld [smem:$0x3FA9];
	_ =	sdelay $0x3  }
0x33: {  	p0 =	seq.s32 s10, $0x1;
	s10 =	sld [smem:$0x3FAB];
	_ =	sdelay $0x3  }
0x34: {  	[smem:$0x3FAB] =	sst s10  }
0x35: {  	s10 =	sld [smem:$0x3FAA];
	_ =	sdelay $0x3  }
0x36: {  	p1 =	seq.s32 s10, $0x1;
	s10 =	sld [smem:$0x3FAB];
	_ =	sdelay $0x3  }
0x37: {  	[smem:$0x3FAB] =	sst s10  }
0x38: {  	s10 =	sld [smem:$0x3FAC]  }
0x39: {  	_ = 	snop;
	(pc) =	sbr.ind lr, $3  }
0x3a: {  	_ = 	snop  }
0x3b: {  	_ = 	snop  }
0x3c: {  	p2 =	seq.s32 s10, $0x1;
	s10 =	sld [smem:$0x3FAB]  }
0x3d: {  	_ =	shalt  }
0x3e: {  	_ =	shalt  }
0x3f: {  	_ =	shalt  }
0x40: {  	_ =	shalt  }
0x41: {  	_ =	shalt  }
0x42: {  	_ =	shalt  }
0x43: {  	_ =	shalt  }
0x44: {  	_ =	shalt  }
0x45: {  	_ =	shalt  }
0x46: {  	_ =	shalt  }
0x47: {  	_ =	shalt  }
0x48: {  	_ =	shalt  }
0x49: {  	_ =	shalt  }
0x4a: {  	_ =	shalt  }
0x4b: {  	_ =	shalt  }
0x4c: {  	_ =	shalt  }
0x4d: {  	_ =	shalt  }
0x4e: {  	_ =	shalt  }
0x4f: {  	_ =	shalt  }
0x50: {  	_ =	shalt  }
0x51: {  	_ =	shalt  }
0x52: {  	_ =	shalt  }
0x53: {  	_ =	shalt  }
0x54: {  	_ =	shalt  }
0x55: {  	_ =	shalt  }
0x56: {  	_ =	shalt  }
0x57: {  	_ =	shalt  }
0x58: {  	_ =	shalt  }
0x59: {  	_ =	shalt  }
0x5a: {  	_ =	shalt  }
0x5b: {  	_ =	shalt  }
0x5c: {  	_ =	shalt  }
0x5d: {  	_ =	shalt  }
0x5e: {  	_ =	shalt  }
0x5f: {  	_ =	shalt  }
0x60: {  	_ =	shalt  }
0x61: {  	_ =	shalt  }
0x62: {  	_ =	shalt  }
0x63: {  	_ =	shalt  }
0x64: {  	_ =	shalt  }
0x65: {  	_ =	shalt  }
0x66: {  	_ =	shalt  }
0x67: {  	_ =	shalt  }
0x68: {  	_ =	shalt  }
0x69: {  	_ =	shalt  }
0x6a: {  	_ =	shalt  }
0x6b: {  	_ =	shalt  }
0x6c: {  	_ =	shalt  }
0x6d: {  	_ =	shalt  }
0x6e: {  	_ =	shalt  }
0x6f: {  	_ =	shalt  }
0x70: {  	_ =	shalt  }
0x71: {  	_ =	shalt  }
0x72: {  	_ =	shalt  }
0x73: {  	_ =	shalt  }
0x74: {  	_ =	shalt  }
0x75: {  	_ =	shalt  }
0x76: {  	_ =	shalt  }
0x77: {  	_ =	shalt  }
0x78: {  	_ =	shalt  }
0x79: {  	_ =	shalt  }
0x7a: {  	_ =	shalt  }
0x7b: {  	_ =	shalt  }
0x7c: {  	_ =	shalt  }
0x7d: {  	_ =	shalt  }
0x7e: {  	_ =	shalt  }
0x7f: {  	_ =	shalt  }
0x80: {  	_ =	shalt  }
0x81: {  	_ =	shalt  }
0x82: {  	_ =	shalt  }
0x83: {  	_ =	shalt  }
0x84: {  	_ =	shalt  }
0x85: {  	_ =	shalt  }
0x86: {  	_ =	shalt  }
0x87: {  	_ =	shalt  }
.Lfunc_end0:
.L_simem_size_0:
called_computation_lowered:
.L_overlay_start_0:
0x88: {  	s2 =	sld [smem:$0x3FD9]  }
0x89: {  	s3 =	sld [smem:$0x3FFE];
	_ =	sdelay $0x1  }
0x8a: {  	s1 =	srdreg.scid  }
0x8b: {  	s0 =	sand.u32 $0x1, s1  }
0x8c: {  	s17 =	sshll.u32 s0, $0xA;
	s2 =	sadd.s32 s3, s2  }
0x8d: {  	s2 =	sadd.s32 s2, s17  }
0x8e: {  	[smem:$0x3FB7] =	sst s2  }
0x8f: {  	_ = 	snop  }
0x90: {  	s2 =	sld [smem:$0x3FD0];
	(tm) =	ssettm $0x1  }
0x91: {  	s18 =	sld [smem:$0x3FFB];
	_ =	sdelay $0x3  }
0x92: {  	_ =	strace s18  }
0x93: {  	s3 =	sld [smem:$0x3FFC];
	_ =	sdelay $0x3  }
0x94: {  	_ =	strace s3  }
0x95: {  	s3 =	sld [smem:$0x3FFD];
	_ =	sdelay $0x3  }
0x96: {  	_ =	strace s3  }
0x97: {  	_ =	strace $0x8FFFFFFF  }
0x98: {  	s19 =	sld [smem:$0x3FDB];
	_ =	sdelay $0x1  }
0x99: {  	s4 =	simm.s32 $_scs_section_size  }
0x9a: {  	s5 =	simm.s32 $_size__tile_overlayer_lowered;
	s6 =	simm.s32 $_tile_overlayer_lowered  }
0x9b: {  	s22 =	simm.s32 $0x1BFF;
	s21 =	sshll.u32 s6, $0x1;
	s3 =	sadd.s32 s4, s19  }
0x9c: {  	s7 =	simm.s32 $0x0;
	s20 =	sshll.u32 s5, $0x1;
	s5 =	sadd.s32 s21, s3  }
0x9d: {  	[timem:s7], [sflag:s22] =	dma.local [hbm:s5], s20  }
0x9e: {  	_ =	swait.ge [sflag:s22], s20  }
0x9f: {  	s4 =	ssub.s32 $0x0, s20;
	[sflag:s22] =	ssyncset.done $0x0  }
0xa0: {  	[sflag:s22] =	ssyncadd.s32 s4;
	_ =	sdelay $0x1  }
0xa1: {  	s23 =	simm.s32 $0x1B8B  }
0xa2: {  	_ =	swait.ge [sflag:s23], $0x1  }
0xa3: {  	[sflag:s23] =	ssyncset.done $0x0  }
0xa4: {  	s25 =	simm.s32 $0x1B8E;
	s24 =	sld [smem:$0x3FFE];
	[sflag:s23] =	ssyncadd.s32 $0xFFFFFFFF  }
0xa5: {  	s26 =	simm.s32 $execute0_lowered;
	[smem:$0x3FD2] =	sst s25  }
0xa6: {  	s5 =	sshll.u32 s26, $0x1;
	_ =	strace $0x80000046;
	[dreg:$0x1] =	wrdreg $0xFFFFFFFF  }
0xa7: {  	s28 =	simm.s32 $_size_execute0_lowered;
	s3 =	sadd.s32 s3, s5;
	[dreg:$0x0] =	wrdreg $0x0  }
0xa8: {  	s5 =	sshll.u32 s28, $0x1;
	[dreg:$0x2] =	wrdreg s3  }
0xa9: {  	[dreg:$0x3] =	wrdreg s5  }
0xaa: {  	[dreg:$0x4] =	wrdreg $0xC0  }
0xab: {  	_ =	task [dreg:s7], $0x5FFFF  }
0xac: {  	[dreg:$0x1] =	wrdreg $0xFFFFFFFF  }
0xad: {  	[dreg:$0x0] =	wrdreg $0x60  }
0xae: {  	[dreg:$0x2] =	wrdreg s24  }
0xaf: {  	[dreg:$0x3] =	wrdreg s2  }
0xb0: {  	[dreg:$0x4] =	wrdreg $0x72100  }
0xb1: {  	[dreg:$0x5] =	wrdreg $0x9  }
0xb2: {  	_ =	task.clear_ibuf [dreg:s7], $0x6FFFF;
	_ =	strace $0x90000046  }
0xb3: {  	s29 =	simm.s32 $0x9;
	_ =	strace $0x80000048  }
0xb4: {  	_ =	swait.ge [sflag:s29], $0x1  }
0xb5: {  	[sflag:s29] =	ssyncadd.s32 $0xFFFFFFFF  }
0xb6: {  	_ =	strace $0x90000048  }
0xb7: {  	_ =	sfence  }
0xb8: {  	s30 =	sld [smem:$0x0];
	_ =	sdelay $0x2  }
0xb9: {  	s31 =	sshll.u32 s1, $0xD;
	s1 =	sshrl.u32 s1, $0x2  }
0xba: {  	s3 =	sand.u32 $0x4000, s31;
	s1 =	sadd.s32 s1, s30  }
0xbb: {  	s0 =	sor.u32 s3, s0;
	s1 =	sshll.u32 s1, $0x11  }
0xbc: {  	s0 =	sor.u32 s1, s0  }
0xbd: {  	s0 =	sadd.s32 $0x8F2B, s0  }
0xbe: {  	[sflag:s0] =	ssyncadd.remote.s32 $0x1  }
0xbf: {  	_ =	sfence.sel $0xFFFF  }
0xc0: {  	[dreg:$0x0] =	wrdreg $0xFFFFFFFF;
	(pc) =	sbr.abs _section_cstart, $3  }
0xc1: {  	[dreg:$0x1] =	wrdreg $0xFFFFFFFF  }
0xc2: {  	_ =	task.clear_ibuf [dreg:s7], $0x2FFFF;
	_ =	strace $0x9FFFFFFF  }
0xc3: {  	(tm) =	ssettm $0x7FFFFFFF  }
tec
execute0_lowered:
.L_overlay_start_1:
0x0: {  	(tag) =	ssettag $0x1  }
0x1: {  	s0 =	srdreg.scid;
	s20 =	stileid.u32  }
0x2: {  	s9 =	rddreg [dreg:$0x0];
	s2 =	smul.u32 $0x280, s20  }
0x3: {  	s11 =	rddreg [dreg:$0x1];
	s5 =	smul.u32 $0x7800, s20  }
0x4: {  	s1 =	simm.s32 $0x0;
	s10 =	sand.u32 $0x1, s0;
	s22 =	smul.u32 $0x1D4C0, s20  }
0x5: {  	s4 =	sshll.u32 s20, $0x1;
	s12 =	smul.u32 $0x78000, s10;
	s3 =	ssub.s32 $0x2, s10  }
0x6: {  	s13 =	sor.u32 s10, s4;
	s10 =	smul.u32 $0xEA60, s10;
	s14 =	sor.u32 $0x50, s2  }
0x7: {  	[smem:$0x7FF] =	sst s1;
	s16 =	sadd.s32 $0xA0, s2;
	s0 =	smul.u32 $0x30, s14  }
0x8: {  	s6 =	sshrl.u32 s3, $0x1;
	s23 =	sadd.s32 s12, s5;
	s2 =	smul.u32 $0x30, s16  }
0x9: {  	s17 =	smul.u32 $0xEA60, s13;
	s15 =	ssub.s32 s3, s6;
	s25 =	sshrl.u32 s23, $0x3  }
0xa: {  	s24 =	sadd.s32 s12, s0;
	s4 =	sadd.s32 s11, s25;
	s26 =	sadd.s32 s12, s2  }
0xb: {  	s3 =	sshrl.u32 s24, $0x3;
	[dreg:$0x4] =	wrdreg s4;
	s4 =	sadd.s32 $0x3C00, s5  }
0xc: {  	s6 =	sshrl.u32 s26, $0x3;
	s26 =	smul.u32 $0xC0, s14;
	s14 =	simm.s32 $0x6310  }
0xd: {  	s3 =	sadd.s32 s11, s3;
	s8 =	sadd.s32 s12, s4;
	s6 =	sadd.s32 s11, s6  }
0xe: {  	[dreg:$0x5] =	wrdreg s3;
	s3 =	sadd.s32 $0x2D00, s5;
	s29 =	sshrl.u32 s8, $0x3  }
0xf: {  	[dreg:$0x6] =	wrdreg s6;
	s7 =	sadd.s32 s12, s3;
	s30 =	sadd.s32 s11, s29  }
0x10: {  	s8 =	sadd.s32 $0x6900, s5;
	s28 =	sshrl.u32 s7, $0x3;
	[dreg:$0x8] =	wrdreg s30  }
0x11: {  	s7 =	sadd.s32 $0x5A00, s5;
	s30 =	smul.u32 $0x1E000, s20;
	s6 =	sadd.s32 s11, s28  }
0x12: {  	s19 =	sadd.s32 s12, s7;
	[dreg:$0x7] =	wrdreg s6;
	s6 =	sadd.s32 $0x4B00, s5  }
0x13: {  	s31 =	sshrl.u32 s19, $0x3;
	s19 =	sadd.s32 $0x4E4600, s9;
	s18 =	sadd.s32 s12, s6  }
0x14: {  	s12 =	sadd.s32 s12, s8;
	s21 =	sadd.s32 s19, s17;
	s18 =	sshrl.u32 s18, $0x3  }
0x15: {  	s17 =	sadd.s32 s22, s19;
	[dreg:$0xc] =	wrdreg s21;
	s18 =	sadd.s32 s11, s18  }
0x16: {  	s22 =	sadd.s32 $0xF000, s30;
	s12 =	sshrl.u32 s12, $0x3;
	[dreg:$0x9] =	wrdreg s18  }
0x17: {  	s18 =	sadd.s32 s11, s31;
	s11 =	sadd.s32 s11, s12;
	s12 =	rddreg [dreg:$0x2]  }
0x18: {  	s21 =	sadd.s32 $0xB400, s30;
	[dreg:$0xa] =	wrdreg s18;
	s18 =	smul.u32 $0x75300, s13  }
0x19: {  	[dreg:$0xb] =	wrdreg s11;
	s13 =	smul.u32 $0x2710, s13;
	s5 =	sadd.s32 s5, s12  }
0x1a: {  	s0 =	sadd.s32 s0, s12;
	_ =	strace $0x80000047;
	[dreg:$0x13] =	wrdreg s5  }
0x1b: {  	[dreg:$0x1d] =	wrdreg s0;
	s0 =	sadd.s32 s3, s12;
	s3 =	sadd.s32 s6, s12  }
0x1c: {  	s6 =	simm.s32 $0x2710;
	s11 =	sshrl.u32 s18, $0x3;
	s23 =	sshrl.u32 s13, $0x3  }
0x1d: {  	s13 =	sadd.s32 s10, s17;
	s17 =	smul.u32 $0xC0, s16;
	s18 =	sshrl.u32 s30, $0x2  }
0x1e: {  	s10 =	sadd.s32 $0x1A400, s30;
	s16 =	simm.s32 $0x50;
	s11 =	sadd.s32 s19, s11  }
0x1f: {  	s24 =	sadd.s32 s23, s9;
	s9 =	sadd.s32 $0xC400, s9;
	s19 =	smax.u32 s15, $0x1  }
0x20: {  	s23 =	sshrl.u32 s21, $0x2;
	s15 =	simm.s32 $0x1;
	s21 =	simm.s32 $0x6  }
0x21: {  	[dreg:$0xd] =	wrdreg s9;
	s25 =	sadd.s32 $0x2600, s24;
	s28 =	sadd.s32 $0x1E0, s11  }
0x22: {  	s29 =	sadd.s32 $0x3C0, s11;
	s31 =	sadd.s32 $0x5A0, s11;
	[dreg:$0x14] =	wrdreg s19  }
0x23: {  	s11 =	sadd.s32 $0x780, s11;
	s9 =	sshrl.u32 s26, $0x2;
	[dreg:$0xe] =	wrdreg s25  }
0x24: {  	s20 =	sshrl.u32 s17, $0x2;
	s24 =	sshrl.u32 s22, $0x2;
	[dreg:$0xf] =	wrdreg s28  }
0x25: {  	s26 =	sadd.s32 $0x12C00, s30;
	s17 =	simm.s32 $0x2;
	[dreg:$0x10] =	wrdreg s29  }
0x26: {  	s19 =	simm.s32 $0x4;
	s22 =	simm.s32 $0x7;
	[dreg:$0x11] =	wrdreg s31  }
0x27: {  	[dreg:$0x12] =	wrdreg s11;
	s11 =	sadd.s32 s18, s12;
	s5 =	sadd.s32 s9, s12  }
0x28: {  	s25 =	sadd.s32 s24, s12;
	s28 =	sadd.s32 $0x16800, s30;
	s30 =	sshrl.u32 s10, $0x2  }
0x29: {  	s9 =	simm.s32 $0x4510;
	s10 =	simm.s32 $0x5410;
	[dreg:$0x15] =	wrdreg s11  }
0x2a: {  	s18 =	simm.s32 $0x3;
	s24 =	simm.s32 $0x9;
	[dreg:$0x16] =	wrdreg s5  }
0x2b: {  	s5 =	sadd.s32 s20, s12;
	[dreg:$0x19] =	wrdreg s25;
	s29 =	sshrl.u32 s28, $0x2  }
0x2c: {  	s31 =	sadd.s32 s30, s12;
	s11 =	sadd.s32 s2, s12;
	s2 =	sadd.s32 s4, s12  }
0x2d: {  	s4 =	sadd.s32 s7, s12;
	s7 =	simm.s32 $0xB;
	s20 =	simm.s32 $0x5  }
.Ltmp0:
0x2e: {  	[dreg:$0x17] =	wrdreg s5;
	s5 =	sadd.s32 s23, s12;
	(pc) =	sbr.rel .LBB2_1-.Ltmp0, $4  }
0x2f: {  	s25 =	simm.s32 $0xA;
	[dreg:$0x18] =	wrdreg s5;
	s5 =	sshrl.u32 s26, $0x2  }
0x30: {  	[dreg:$0x1c] =	wrdreg s31;
	s23 =	simm.s32 $0x8;
	s5 =	sadd.s32 s5, s12  }
0x31: {  	s26 =	simm.s32 $0x0;
	[dreg:$0x1a] =	wrdreg s5;
	s5 =	sadd.s32 s29, s12  }
0x32: {  	[dreg:$0x1b] =	wrdreg s5;
	s5 =	sadd.s32 s8, s12;
	s8 =	simm.s32 $0x3610  }
.LBB2_4:
0x33: {  	_ =	swait.ge [sflag:s22], $0xF00  }
0x34: {  	[sflag:s22] =	ssyncset.done $0x0  }
0x35: {  	[sflag:s22] =	ssyncadd.s32 $0xFFFFF100  }
0x36: {  	_ =	swait.ge [sflag:s23], $0xF00  }
0x37: {  	[sflag:s23] =	ssyncset.done $0x0  }
0x38: {  	[sflag:s23] =	ssyncadd.s32 $0xFFFFF100  }
0x39: {  	_ =	swait.ge [sflag:s24], $0xF00  }
0x3a: {  	[sflag:s24] =	ssyncset.done $0x0  }
0x3b: {  	[sflag:s24] =	ssyncadd.s32 $0xFFFFF100  }
0x3c: {  	_ =	swait.ge [sflag:s25], $0xF00  }
0x3d: {  	[sflag:s25] =	ssyncset.done $0x0  }
0x3e: {  	[sflag:s25] =	ssyncadd.s32 $0xFFFFF100  }
0x3f: {  	[bflag:$0x0] =	sbarrier.arrive $0xFFFF  }
0x40: {  	s28 =	rddreg [dreg:$0x13]  }
0x41: {  	[tilespmem:s6], [sflag:$0xB] =	stream.linear.gather [spmem:s28], $0xF00, $0x38;
	[tilespmem:$0xEA10] =	vst v63  }
0x42: {  	_ =	swait.ge [sflag:s7], $0xF00  }
0x43: {  	[sflag:s7] =	ssyncset.done $0x0  }
0x44: {  	s31 =	rddreg [dreg:$0x4];
	[sflag:s7] =	ssyncadd.s32 $0xFFFFF100  }
0x45: {  	[hbm4b:s31+s1] =	stream.linear.scatter [tilespmem:s6], [sflag:$0xB], $0xF00, $0x38;
	[tilespmem:$0xEA10] =	vst v63  }
0x46: {  	_ =	swait.ge [sflag:s7], $0xF00  }
0x47: {  	[sflag:s7] =	ssyncset.done $0x0  }
0x48: {  	s29 =	rddreg [dreg:$0x1d];
	[sflag:s7] =	ssyncadd.s32 $0xFFFFF100  }
0x49: {  	[tilespmem:s6], [sflag:$0xB] =	stream.linear.gather [spmem:s29], $0xF00, $0x38;
	[tilespmem:$0xEA10] =	vst v63  }
0x4a: {  	_ =	swait.ge [sflag:s7], $0xF00  }
0x4b: {  	[sflag:s7] =	ssyncset.done $0x0  }
0x4c: {  	s30 =	rddreg [dreg:$0x5];
	[sflag:s7] =	ssyncadd.s32 $0xFFFFF100  }
0x4d: {  	[hbm4b:s30+s1] =	stream.linear.scatter [tilespmem:s6], [sflag:$0xB], $0xF00, $0x38;
	[tilespmem:$0xEA10] =	vst v63  }
0x4e: {  	_ =	swait.ge [sflag:s7], $0xF00  }
0x4f: {  	[sflag:s7] =	ssyncset.done $0x0  }
0x50: {  	[sflag:s7] =	ssyncadd.s32 $0xFFFFF100  }
0x51: {  	[tilespmem:s6], [sflag:$0xB] =	stream.linear.gather [spmem:s11], $0xF00, $0x38;
	[tilespmem:$0xEA10] =	vst v63  }
0x52: {  	_ =	swait.ge [sflag:s7], $0xF00  }
0x53: {  	[sflag:s7] =	ssyncset.done $0x0  }
0x54: {  	s31 =	rddreg [dreg:$0x6];
	[sflag:s7] =	ssyncadd.s32 $0xFFFFF100  }
0x55: {  	[hbm4b:s31+s1] =	stream.linear.scatter [tilespmem:s6], [sflag:$0xB], $0xF00, $0x38;
	[tilespmem:$0xEA10] =	vst v63  }
0x56: {  	_ =	swait.ge [sflag:s7], $0xF00  }
0x57: {  	[sflag:s7] =	ssyncset.done $0x0  }
0x58: {  	[sflag:s7] =	ssyncadd.s32 $0xFFFFF100  }
0x59: {  	[tilespmem:s6], [sflag:$0xB] =	stream.linear.gather [spmem:s0], $0xF00, $0x38;
	[tilespmem:$0xEA10] =	vst v63  }
0x5a: {  	_ =	swait.ge [sflag:s7], $0xF00  }
0x5b: {  	[sflag:s7] =	ssyncset.done $0x0  }
0x5c: {  	s29 =	rddreg [dreg:$0x7];
	[sflag:s7] =	ssyncadd.s32 $0xFFFFF100  }
0x5d: {  	[hbm4b:s29+s1] =	stream.linear.scatter [tilespmem:s6], [sflag:$0xB], $0xF00, $0x38;
	[tilespmem:$0xEA10] =	vst v63  }
0x5e: {  	_ =	swait.ge [sflag:s7], $0xF00  }
0x5f: {  	[sflag:s7] =	ssyncset.done $0x0  }
0x60: {  	[sflag:s7] =	ssyncadd.s32 $0xFFFFF100  }
0x61: {  	[tilespmem:s6], [sflag:$0xB] =	stream.linear.gather [spmem:s2], $0xF00, $0x38;
	[tilespmem:$0xEA10] =	vst v63  }
0x62: {  	_ =	swait.ge [sflag:s7], $0xF00  }
0x63: {  	[sflag:s7] =	ssyncset.done $0x0  }
0x64: {  	s30 =	rddreg [dreg:$0x8];
	[sflag:s7] =	ssyncadd.s32 $0xFFFFF100  }
0x65: {  	[hbm4b:s30+s1] =	stream.linear.scatter [tilespmem:s6], [sflag:$0xB], $0xF00, $0x38;
	[tilespmem:$0xEA10] =	vst v63  }
0x66: {  	_ =	swait.ge [sflag:s7], $0xF00  }
0x67: {  	[sflag:s7] =	ssyncset.done $0x0  }
0x68: {  	[sflag:s7] =	ssyncadd.s32 $0xFFFFF100  }
0x69: {  	[tilespmem:s6], [sflag:$0xB] =	stream.linear.gather [spmem:s3], $0xF00, $0x38;
	[tilespmem:$0xEA10] =	vst v63  }
0x6a: {  	_ =	swait.ge [sflag:s7], $0xF00  }
0x6b: {  	[sflag:s7] =	ssyncset.done $0x0  }
0x6c: {  	s31 =	rddreg [dreg:$0x9];
	[sflag:s7] =	ssyncadd.s32 $0xFFFFF100  }
0x6d: {  	[hbm4b:s31+s1] =	stream.linear.scatter [tilespmem:s6], [sflag:$0xB], $0xF00, $0x38;
	[tilespmem:$0xEA10] =	vst v63  }
0x6e: {  	_ =	swait.ge [sflag:s7], $0xF00  }
0x6f: {  	[sflag:s7] =	ssyncset.done $0x0  }
0x70: {  	[sflag:s7] =	ssyncadd.s32 $0xFFFFF100  }
0x71: {  	[tilespmem:s6], [sflag:$0xB] =	stream.linear.gather [spmem:s4], $0xF00, $0x38;
	[tilespmem:$0xEA10] =	vst v63  }
0x72: {  	_ =	swait.ge [sflag:s7], $0xF00  }
0x73: {  	[sflag:s7] =	ssyncset.done $0x0  }
0x74: {  	s29 =	rddreg [dreg:$0xa];
	[sflag:s7] =	ssyncadd.s32 $0xFFFFF100  }
0x75: {  	[hbm4b:s29+s1] =	stream.linear.scatter [tilespmem:s6], [sflag:$0xB], $0xF00, $0x38;
	[tilespmem:$0xEA10] =	vst v63  }
0x76: {  	_ =	swait.ge [sflag:s7], $0xF00  }
0x77: {  	[sflag:s7] =	ssyncset.done $0x0  }
0x78: {  	[sflag:s7] =	ssyncadd.s32 $0xFFFFF100  }
0x79: {  	[tilespmem:s6], [sflag:$0xB] =	stream.linear.gather [spmem:s5], $0xF00, $0x38;
	[tilespmem:$0xEA10] =	vst v63  }
0x7a: {  	_ =	swait.ge [sflag:s7], $0xF00  }
0x7b: {  	[sflag:s7] =	ssyncset.done $0x0  }
0x7c: {  	s30 =	rddreg [dreg:$0xb];
	[sflag:s7] =	ssyncadd.s32 $0xFFFFF100  }
0x7d: {  	[hbm4b:s30+s1] =	stream.linear.scatter [tilespmem:s6], [sflag:$0xB], $0xF00, $0x38;
	[tilespmem:$0xEA10] =	vst v63  }
0x7e: {  	_ =	swait.ge [sflag:s7], $0xF00  }
0x7f: {  	s26 =	sadd.s32 $0x1, s26;
	s31 =	rddreg [dreg:$0x14]  }
0x80: {  	p0 =	sne.s32 s26, s31  }
.Ltmp1:
0x81: {  	_ = 	snop;
	(pc) =	sbr.rel @!p0 .LBB2_5-.Ltmp1, $3  }
0x82: {  	_ =	sdelay $0x1  }
0x83: {  	[sflag:s7] =	ssyncset.done $0x0  }
0x84: {  	[sflag:s7] =	ssyncadd.s32 $0xFFFFF100  }
.LBB2_1:
0x85: {  	s28 =	rddreg [dreg:$0xd]  }
0x86: {  	[tilespmem:s6], [sflag:$0xB] =	stream.linear.gather [hbm4b:s28+s1], $0xF00, $0x38;
	[tilespmem:$0xEA10] =	vst v63  }
0x87: {  	_ =	swait.ge [sflag:s7], $0xF00  }
0x88: {  	[sflag:s7] =	ssyncset.done $0x0  }
0x89: {  	s28 =	rddreg [dreg:$0x15];
	[sflag:s7] =	ssyncadd.s32 $0xFFFFF100  }
0x8a: {  	[spmem:s28] =	stream.linear.scatter [tilespmem:s6], [sflag:$0xB], $0xF00, $0x38;
	[tilespmem:$0xEA10] =	vst v63  }
0x8b: {  	_ =	swait.ge [sflag:s7], $0xF00  }
0x8c: {  	[sflag:s7] =	ssyncset.done $0x0  }
0x8d: {  	s28 =	rddreg [dreg:$0x16];
	[sflag:s7] =	ssyncadd.s32 $0xFFFFF100  }
0x8e: {  	[spmem:s28] =	stream.linear.scatter [tilespmem:s6], [sflag:$0xB], $0xF00, $0x38;
	[tilespmem:$0xEA10] =	vst v63  }
0x8f: {  	_ =	swait.ge [sflag:s7], $0xF00  }
0x90: {  	[sflag:s7] =	ssyncset.done $0x0  }
0x91: {  	s28 =	rddreg [dreg:$0x17];
	[sflag:s7] =	ssyncadd.s32 $0xFFFFF100  }
0x92: {  	[spmem:s28] =	stream.linear.scatter [tilespmem:s6], [sflag:$0xB], $0xF00, $0x38;
	[tilespmem:$0xEA10] =	vst v63  }
0x93: {  	_ =	swait.ge [sflag:s7], $0xF00  }
0x94: {  	[sflag:s7] =	ssyncset.done $0x0  }
0x95: {  	s28 =	rddreg [dreg:$0x18];
	[sflag:s7] =	ssyncadd.s32 $0xFFFFF100  }
0x96: {  	[spmem:s28] =	stream.linear.scatter [tilespmem:s6], [sflag:$0xB], $0xF00, $0x38;
	[tilespmem:$0xEA10] =	vst v63  }
0x97: {  	_ =	swait.ge [sflag:s7], $0xF00  }
0x98: {  	[sflag:s7] =	ssyncset.done $0x0  }
0x99: {  	s28 =	rddreg [dreg:$0x19];
	[sflag:s7] =	ssyncadd.s32 $0xFFFFF100  }
0x9a: {  	[spmem:s28] =	stream.linear.scatter [tilespmem:s6], [sflag:$0xB], $0xF00, $0x38;
	[tilespmem:$0xEA10] =	vst v63  }
0x9b: {  	_ =	swait.ge [sflag:s7], $0xF00  }
0x9c: {  	[sflag:s7] =	ssyncset.done $0x0  }
0x9d: {  	s28 =	rddreg [dreg:$0x1a];
	[sflag:s7] =	ssyncadd.s32 $0xFFFFF100  }
0x9e: {  	[spmem:s28] =	stream.linear.scatter [tilespmem:s6], [sflag:$0xB], $0xF00, $0x38;
	[tilespmem:$0xEA10] =	vst v63  }
0x9f: {  	_ =	swait.ge [sflag:s7], $0xF00  }
0xa0: {  	[sflag:s7] =	ssyncset.done $0x0  }
0xa1: {  	s28 =	rddreg [dreg:$0x1b];
	[sflag:s7] =	ssyncadd.s32 $0xFFFFF100  }
0xa2: {  	[spmem:s28] =	stream.linear.scatter [tilespmem:s6], [sflag:$0xB], $0xF00, $0x38;
	[tilespmem:$0xEA10] =	vst v63  }
0xa3: {  	_ =	swait.ge [sflag:s7], $0xF00  }
0xa4: {  	[sflag:s7] =	ssyncset.done $0x0  }
0xa5: {  	s28 =	rddreg [dreg:$0x1c];
	[sflag:s7] =	ssyncadd.s32 $0xFFFFF100  }
0xa6: {  	[spmem:s28] =	stream.linear.scatter [tilespmem:s6], [sflag:$0xB], $0xF00, $0x38;
	[tilespmem:$0xEA10] =	vst v63  }
0xa7: {  	_ =	swait.ge [sflag:s7], $0xF00  }
0xa8: {  	[sflag:s7] =	ssyncset.done $0x0  }
0xa9: {  	[sflag:s7] =	ssyncadd.s32 $0xFFFFF100  }
0xaa: {  	[bflag:$0x0] =	sbarrier.arrive $0xFFFF  }
0xab: {  	s28 =	rddreg [dreg:$0xe]  }
0xac: {  	[tilespmem:s1], [sflag:$0xB] =	stream.linear.gather [hbm4b:s28+s1], $0x2710, $0x38;
	[tilespmem:$0xEA10] =	vst v63  }
0xad: {  	_ =	swait.ge [sflag:s7], $0x2710  }
0xae: {  	[sflag:s7] =	ssyncset.done $0x0  }
0xaf: {  	s28 =	rddreg [dreg:$0xc];
	[sflag:s7] =	ssyncadd.s32 $0xFFFFD8F0  }
0xb0: {  	[tilespmem:s6], [sflag:$0x1] =	stream.linear.gather [hbm4b:s28+s1], $0xF00, $0x38;
	[tilespmem:$0xEA10] =	vst v63  }
0xb1: {  	s28 =	rddreg [dreg:$0xf]  }
0xb2: {  	[tilespmem:s8], [sflag:$0x2] =	stream.linear.gather [hbm4b:s28+s1], $0xF00, $0x38;
	[tilespmem:$0xEA10] =	vst v63  }
0xb3: {  	s28 =	rddreg [dreg:$0x10]  }
0xb4: {  	[tilespmem:s9], [sflag:$0x3] =	stream.linear.gather [hbm4b:s28+s1], $0xF00, $0x38;
	[tilespmem:$0xEA10] =	vst v63  }
0xb5: {  	s28 =	rddreg [dreg:$0x11]  }
0xb6: {  	[tilespmem:s10], [sflag:$0x4] =	stream.linear.gather [hbm4b:s28+s1], $0xF00, $0x38;
	[tilespmem:$0xEA10] =	vst v63  }
0xb7: {  	s28 =	rddreg [dreg:$0x12]  }
0xb8: {  	[tilespmem:s14], [sflag:$0x5] =	stream.linear.gather [hbm4b:s28+s1], $0xF00, $0x38;
	[tilespmem:$0xEA10] =	vst v63  }
0xb9: {  	s29 =	simm.s32 $0x0;
	s28 =	simm.s32 $0x140  }
.LBB2_2:
0xba: {  	_ =	swait.ge [sflag:s15], $0xF00  }
0xbb: {  	[sflag:s15] =	ssyncset.done $0x0  }
0xbc: {  	s30 =	sadd.s32 $0xFFFFFEC0, s28;
	[sflag:s15] =	ssyncadd.s32 $0xFFFFF100  }
0xbd: {  	[spmem:s12] =	stream.indirect.scatter.add.f32 [tilespmem:s6], [sflag:$0x6], $0x30, s30, s16, $0xb8;
	[tilespmem:$0xEA10] =	vst v63  }
0xbe: {  	_ =	swait.ge [sflag:s17], $0xF00  }
0xbf: {  	[sflag:s17] =	ssyncset.done $0x0  }
0xc0: {  	s31 =	sadd.s32 $0xFFFFFF10, s28;
	[sflag:s17] =	ssyncadd.s32 $0xFFFFF100  }
0xc1: {  	[spmem:s12] =	stream.indirect.scatter.add.f32 [tilespmem:s8], [sflag:$0x7], $0x30, s31, s16, $0xb8;
	[tilespmem:$0xEA10] =	vst v63  }
0xc2: {  	_ =	swait.ge [sflag:s18], $0xF00  }
0xc3: {  	[sflag:s18] =	ssyncset.done $0x0  }
0xc4: {  	s31 =	sadd.s32 $0xFFFFFF60, s28;
	[sflag:s18] =	ssyncadd.s32 $0xFFFFF100  }
0xc5: {  	[spmem:s12] =	stream.indirect.scatter.add.f32 [tilespmem:s9], [sflag:$0x8], $0x30, s31, s16, $0xb8;
	[tilespmem:$0xEA10] =	vst v63  }
0xc6: {  	_ =	swait.ge [sflag:s19], $0xF00  }
0xc7: {  	[sflag:s19] =	ssyncset.done $0x0  }
0xc8: {  	s31 =	sadd.s32 $0xFFFFFFB0, s28;
	[sflag:s19] =	ssyncadd.s32 $0xFFFFF100  }
0xc9: {  	[spmem:s12] =	stream.indirect.scatter.add.f32 [tilespmem:s10], [sflag:$0x9], $0x30, s31, s16, $0xb8;
	[tilespmem:$0xEA10] =	vst v63  }
0xca: {  	_ =	swait.ge [sflag:s20], $0xF00  }
0xcb: {  	p0 =	seq.s32 s29, $0xE100;
	[sflag:s20] =	ssyncset.done $0x0  }
.Ltmp2:
0xcc: {  	[sflag:s20] =	ssyncadd.s32 $0xFFFFF100;
	(pc) =	sbr.rel @p0 .LBB2_4-.Ltmp2, $4  }
0xcd: {  	[spmem:s12] =	stream.indirect.scatter.add.f32 [tilespmem:s14], [sflag:$0xA], $0x30, s28, s16, $0xb8;
	[tilespmem:$0xEA10] =	vst v63  }
0xce: {  	_ =	swait.ge [sflag:s21], $0xF00  }
0xcf: {  	[sflag:s21] =	ssyncset.done $0x0  }
0xd0: {  	[sflag:s21] =	ssyncadd.s32 $0xFFFFF100  }
0xd1: {  	s30 =	sadd.s32 s29, s13  }
0xd2: {  	s31 =	sadd.s32 $0x960, s30  }
0xd3: {  	[tilespmem:s6], [sflag:$0x1] =	stream.linear.gather [hbm4b:s31+s1], $0xF00, $0x38;
	[tilespmem:$0xEA10] =	vst v63  }
0xd4: {  	_ =	swait.ge [sflag:s22], $0xF00  }
0xd5: {  	[sflag:s22] =	ssyncset.done $0x0  }
0xd6: {  	s31 =	sadd.s32 $0xB40, s30;
	[sflag:s22] =	ssyncadd.s32 $0xFFFFF100  }
0xd7: {  	[tilespmem:s8], [sflag:$0x2] =	stream.linear.gather [hbm4b:s31+s1], $0xF00, $0x38;
	[tilespmem:$0xEA10] =	vst v63  }
0xd8: {  	_ =	swait.ge [sflag:s23], $0xF00  }
0xd9: {  	[sflag:s23] =	ssyncset.done $0x0  }
0xda: {  	s31 =	sadd.s32 $0xD20, s30;
	[sflag:s23] =	ssyncadd.s32 $0xFFFFF100  }
0xdb: {  	[tilespmem:s9], [sflag:$0x3] =	stream.linear.gather [hbm4b:s31+s1], $0xF00, $0x38;
	[tilespmem:$0xEA10] =	vst v63  }
0xdc: {  	_ =	swait.ge [sflag:s24], $0xF00  }
0xdd: {  	[sflag:s24] =	ssyncset.done $0x0  }
0xde: {  	s31 =	sadd.s32 $0xF00, s30;
	[sflag:s24] =	ssyncadd.s32 $0xFFFFF100  }
0xdf: {  	[tilespmem:s10], [sflag:$0x4] =	stream.linear.gather [hbm4b:s31+s1], $0xF00, $0x38;
	[tilespmem:$0xEA10] =	vst v63  }
.Ltmp3:
0xe0: {  	_ = 	snop;
	(pc) =	sbr.rel .LBB2_2-.Ltmp3, $4  }
0xe1: {  	_ =	swait.ge [sflag:s25], $0xF00  }
0xe2: {  	s29 =	sadd.s32 $0x960, s29;
	[sflag:s25] =	ssyncset.done $0x0  }
0xe3: {  	s28 =	sadd.s32 $0x190, s28;
	s30 =	sadd.s32 $0x10E0, s30;
	[sflag:s25] =	ssyncadd.s32 $0xFFFFF100  }
0xe4: {  	[tilespmem:s14], [sflag:$0x5] =	stream.linear.gather [hbm4b:s30+s1], $0xF00, $0x38;
	[tilespmem:$0xEA10] =	vst v63  }
.LBB2_5:
0xe5: {  	_ =	sfence.sel $0x180000  }
0xe6: {  	[bflag:$0x0] =	sbarrier.arrive $0xFFFF  }
0xe7: {  	_ =	strace $0x90000047  }
0xe8: {  	s0 =	stileid.u32;
	[bflag:$0x2] =	sbarrier.arrive $0xFFFF  }
0xe9: {  	p0 =	sne.s32 s0, $0x0;
	s0 =	rddreg [dreg:$0x3]  }
0xea: {  	s0 =	sadd.s32 @!p0 $0x100000, s0  }
0xeb: {  	[sflag:s0] =	ssyncadd.tile.s32 @!p0 $0x1;
	_ =	shalt  }
.Lfunc_end2:
_tile_overlayer_lowered:
.L_overlay_start_2:
0xec: {  	(tag) =	ssettag $0x2  }
0xed: {  	s0 =	rddreg [dreg:$0x0];
	s2 =	stileid.u32  }
0xee: {  	s1 =	rddreg [dreg:$0x1];
	p0 =	sne.s32 s2, $0x0  }
0xef: {  	s3 =	rddreg [dreg:$0x2];
	[bflag:$0x3] =	sbarrier.arrive $0xFFFF;
	s2 =	simm.s32 @!p0 $0x1C0B  }
0xf0: {  	[timem:s3], [sflag:s2] =	dma.local @!p0 [hbm:s0], s1  }
0xf1: {  	s0 =	simm.s32 @!p0 $0xB  }
0xf2: {  	_ =	swait.ge @!p0 [sflag:s0], s1  }
0xf3: {  	s1 =	ssub.s32 @!p0 $0x0, s1;
	[sflag:s0] =	ssyncset.done @!p0 $0x0  }
0xf4: {  	[sflag:s0] =	ssyncadd.s32 @!p0 s1  }
0xf5: {  	[bflag:$0x3] =	sbarrier.arrive $0xFFFF  }
0xf6: {  	_ =	shalt  }

</sc_bundles>
